<compile_context>
chip_gen: v7x
topology: tpu7x:2x2x1
jax: 0.10.2.dev20260603
libtpu: 0.0.44.dev20260713+nightly
codegen_flags: <defaults>
</compile_context>

<pallas_src>
import functools

import jax
import jax.numpy as jnp
from jax import lax
from jax.experimental import pallas as pl
from jax.experimental.pallas import tpu as pltpu
from jax.experimental.pallas import tpu_sc as plsc

_N = 50000
_E = 800000
_NC, _NS = 2, 16
_CH = 512
_EPAD = 819200
_GPT = _EPAD // _NS // _CH
_NPAD = 50048
_RPT = _NPAD // _NS
_ZR = 136


def _seg_body(width, qw, tab, srcq, dst3, out, outw, idxs, idxd, rows, zbuf,
              si0, si1, si2, sg0, sg1, sg2, ss0, ss1, ss2, acc):
    c = lax.axis_index("c")
    t = lax.axis_index("s")
    si = (si0, si1, si2)
    sg = (sg0, sg1, sg2)
    ss = (ss0, ss1, ss2)

    def _zrow(r, _):
        for j0 in range(0, width - 15, 16):
            zbuf[r, j0:j0 + 16] = jnp.zeros((16,), jnp.float32)
        if width % 16:
            zbuf[r, width - 16:width] = jnp.zeros((16,), jnp.float32)
        return _
    lax.fori_loop(0, _ZR, _zrow, None)

    r0 = t * _RPT

    def _load_idx(q, k, b):
        row = t * _GPT + k
        pltpu.async_copy(srcq.at[q, row], idxs.at[b], si[b])
        pltpu.async_copy(dst3.at[row], idxd.at[b], si[b])

    def _wait_idx(b):
        pltpu.make_async_copy(srcq.at[0, 0], idxs.at[b], si[b]).wait()
        pltpu.make_async_copy(dst3.at[0], idxd.at[b], si[b]).wait()

    def _scatter(b):
        pltpu.make_async_copy(tab.at[idxs.at[b]], rows.at[b], sg[b]).wait()
        pltpu.async_copy(rows.at[b], acc.at[idxd.at[b]], ss[b], add=True)

    def _drain_sc(b):
        pltpu.make_async_copy(rows.at[b], acc.at[idxd.at[b]], ss[b]).wait()

    for rnd in range(2):
        q = 2 * c + rnd
        for z in range(_RPT // _ZR):
            pltpu.async_copy(zbuf, acc.at[pl.ds(r0 + z * _ZR, _ZR)], sg0)
        for z in range(_RPT // _ZR):
            pltpu.make_async_copy(
                zbuf, acc.at[pl.ds(r0 + z * _ZR, _ZR)], sg0).wait()
        plsc.subcore_barrier()

        _load_idx(q, 0, 0)
        _load_idx(q, 1, 1)
        _wait_idx(0)
        pltpu.async_copy(tab.at[idxs.at[0]], rows.at[0], sg[0])

        def _step(i, _):
            for j in range(3):
                k = 3 * i + 1 + j
                b = (1 + j) % 3
                bp = j % 3
                bn = (2 + j) % 3
                _scatter(bp)
                @pl.when(k <= _GPT - 2)
                def _():
                    @pl.when(k >= 2)
                    def _():
                        _drain_sc(bn)
                    _load_idx(q, k + 1, bn)
                @pl.when(k <= _GPT - 1)
                def _():
                    _wait_idx(b)
                    pltpu.async_copy(tab.at[idxs.at[b]], rows.at[b], sg[b])
            return _

        lax.fori_loop(0, (_GPT - 1) // 3, _step, None)
        _scatter((_GPT - 1) % 3)
        for b in range(3):
            _drain_sc(b)
        plsc.subcore_barrier()
        pltpu.sync_copy(acc.at[pl.ds(r0, _RPT)], out.at[q].at[pl.ds(r0, _RPT)])
        pltpu.sync_copy(acc.at[pl.ds(r0, _RPT)],
                        outw.at[pl.ds(r0, _RPT), pl.ds(width * q, width)])
        plsc.subcore_barrier()


@functools.partial(jax.jit, static_argnums=(3, 4))
def _segsum(tab, srcq, dst3, width, qw):
    mesh = plsc.VectorSubcoreMesh(core_axis_name="c", subcore_axis_name="s")
    kern = pl.kernel(
        functools.partial(_seg_body, width, qw),
        out_type=(jax.ShapeDtypeStruct((4, _NPAD, width), jnp.float32),
                  jax.ShapeDtypeStruct((_NPAD, 128), jnp.float32)),
        mesh=mesh,
        compiler_params=pltpu.CompilerParams(use_tc_tiling_on_sc=False),
        scratch_types=[
            pltpu.VMEM((3, _CH), jnp.int32),
            pltpu.VMEM((3, _CH), jnp.int32),
            pltpu.VMEM((3, _CH, width), jnp.float32),
            pltpu.VMEM((_ZR, width), jnp.float32),
            pltpu.SemaphoreType.DMA,
            pltpu.SemaphoreType.DMA,
            pltpu.SemaphoreType.DMA,
            pltpu.SemaphoreType.DMA,
            pltpu.SemaphoreType.DMA,
            pltpu.SemaphoreType.DMA,
            pltpu.SemaphoreType.DMA,
            pltpu.SemaphoreType.DMA,
            pltpu.SemaphoreType.DMA,
            pltpu.VMEM_SHARED((_NPAD, width), jnp.float32),
        ],
    )
    return kern(tab, srcq, dst3)


def _deg_body(src3, out, idxd, ones, zbuf, si0, si1, ss0, ss1, acc):
    c = lax.axis_index("c")
    t = lax.axis_index("s")
    si = (si0, si1)
    ss = (ss0, ss1)

    def _orow(r, _):
        ones[r, 0:16] = jnp.ones((16,), jnp.float32)
        return _
    lax.fori_loop(0, _CH, _orow, None)

    def _zrow(r, _):
        zbuf[r, 0:16] = jnp.zeros((16,), jnp.float32)
        return _
    lax.fori_loop(0, _ZR, _zrow, None)
    r0 = t * _RPT
    for z in range(_RPT // _ZR):
        pltpu.async_copy(zbuf, acc.at[pl.ds(r0 + z * _ZR, _ZR)], ss0)
    for z in range(_RPT // _ZR):
        pltpu.make_async_copy(zbuf, acc.at[pl.ds(r0 + z * _ZR, _ZR)], ss0).wait()
    plsc.subcore_barrier()

    rows_per_tile = _EPAD // _CH // _NC // _NS
    niter = rows_per_tile // 2

    def _iter(i, _):
        @pl.when(i > 0)
        def _():
            for b in range(2):
                pltpu.make_async_copy(ones, acc.at[idxd.at[b]], ss[b]).wait()
        row0 = (c * _NS + t) * rows_per_tile + i * 2
        h = []
        for b in range(2):
            h.append(pltpu.async_copy(src3.at[row0 + b], idxd.at[b], si[b]))
        for b in range(2):
            h[b].wait()
            pltpu.async_copy(ones, acc.at[idxd.at[b]], ss[b], add=True)
        return _

    lax.fori_loop(0, niter, _iter, None)
    for b in range(2):
        pltpu.make_async_copy(ones, acc.at[idxd.at[b]], ss[b]).wait()
    plsc.subcore_barrier()
    pltpu.sync_copy(acc.at[pl.ds(r0, _RPT)], out.at[c].at[pl.ds(r0, _RPT)])


@jax.jit
def _degrees(src3):
    mesh = plsc.VectorSubcoreMesh(core_axis_name="c", subcore_axis_name="s")
    kern = pl.kernel(
        _deg_body,
        out_type=jax.ShapeDtypeStruct((_NC, _NPAD, 16), jnp.float32),
        mesh=mesh,
        compiler_params=pltpu.CompilerParams(use_tc_tiling_on_sc=False),
        scratch_types=[
            pltpu.VMEM((2, _CH), jnp.int32),
            pltpu.VMEM((_CH, 16), jnp.float32),
            pltpu.VMEM((_ZR, 16), jnp.float32),
            pltpu.SemaphoreType.DMA,
            pltpu.SemaphoreType.DMA,
            pltpu.SemaphoreType.DMA,
            pltpu.SemaphoreType.DMA,
            pltpu.VMEM_SHARED((_NPAD, 16), jnp.float32),
        ],
    )
    return kern(src3)


def _mm_body(x_ref, w_ref, o_ref):
    o_ref[...] = jnp.dot(x_ref[...], w_ref[...],
                         preferred_element_type=jnp.float32)


def _matmul(x, w):
    m, k = x.shape
    _, n = w.shape
    bm = 512
    return pl.pallas_call(
        _mm_body,
        grid=(pl.cdiv(m, bm),),
        in_specs=[pl.BlockSpec((bm, k), lambda i: (i, 0)),
                  pl.BlockSpec((k, n), lambda i: (0, 0))],
        out_specs=pl.BlockSpec((bm, n), lambda i: (i, 0)),
        out_shape=jax.ShapeDtypeStruct((m, n), jnp.float32),
    )(x, w)


def _quarters(g, qw, width):
    g4 = g.reshape(_N, 4, qw).transpose(1, 0, 2)
    return jnp.pad(g4, ((0, 0), (0, _NPAD - _N), (0, width - qw)))


def _unquarters(s4, qw):
    return s4[:, :_N, :qw].transpose(1, 0, 2).reshape(_N, 4 * qw)


def kernel(x, edge_index, conv1_W, conv1_b, sk1_W, sk1_b, conv2_W, conv2_b,
           sk2_W, sk2_b, conv3_W, conv3_b, sk3_W, sk3_b, conv4_W, conv4_b,
           sk4_W, sk4_b, conv5_W, conv5_b, sk5_W, sk5_b, mix_W, mix_b,
           bn1_gamma, bn1_beta, bn1_mean, bn1_var,
           bn2_gamma, bn2_beta, bn2_mean, bn2_var,
           bn3_gamma, bn3_beta, bn3_mean, bn3_var,
           bn4_gamma, bn4_beta, bn4_mean, bn4_var,
           bn5_gamma, bn5_beta, bn5_mean, bn5_var):
    src = edge_index[0]
    dst = edge_index[1]

    npad = _EPAD - _E
    pad_src = (jnp.arange(npad, dtype=jnp.int32) * 97) % _N
    pad_dst = _N + (jnp.arange(npad, dtype=jnp.int32) % (_NPAD - _N))
    src_p = jnp.concatenate([src, pad_src])
    dst_p = jnp.concatenate([dst, pad_dst])
    srcq = jnp.stack([src_p + q * _NPAD for q in range(4)]
                     ).reshape(4, _EPAD // _CH, _CH)
    dst3 = dst_p.reshape(_EPAD // _CH, _CH)
    src3 = jnp.concatenate([src, pad_dst]).reshape(_EPAD // _CH, _CH)

    degp = _degrees(src3)
    deg = degp[0, :_N, 0] + degp[1, :_N, 0]
    dinv = jnp.where(deg > 0, lax.rsqrt(jnp.maximum(deg, 1.0)), 0.0)
    dinv = dinv[:, None]
    dinv2 = dinv * dinv

    def prop_q(tab, width, qw):
        return _segsum(tab.reshape(4 * _NPAD, width), srcq, dst3, width, qw)

    dinv2p = jnp.pad(dinv2, ((0, _NPAD - _N), (0, 0)))
    d2q = dinv2p[None, :, :]

    params = dict(
        conv=[(conv1_W, conv1_b), (conv2_W, conv2_b), (conv3_W, conv3_b),
              (conv4_W, conv4_b), (conv5_W, conv5_b)],
        sk=[(sk1_W, sk1_b), (sk2_W, sk2_b), (sk3_W, sk3_b), (sk4_W, sk4_b),
            (sk5_W, sk5_b)],
        bn=[(bn1_gamma, bn1_beta, bn1_mean, bn1_var),
            (bn2_gamma, bn2_beta, bn2_mean, bn2_var),
            (bn3_gamma, bn3_beta, bn3_mean, bn3_var),
            (bn4_gamma, bn4_beta, bn4_mean, bn4_var),
            (bn5_gamma, bn5_beta, bn5_mean, bn5_var)],
    )

    h = x
    for i in range(5):
        W, b = params["conv"][i]
        skW, skb = params["sk"][i]
        gam, bet, mean, var = params["bn"][i]
        A = jnp.concatenate([4.0 * W[3], 2.0 * W[2], W[1] - 3.0 * W[3],
                             W[0] - W[2], skW[0]], axis=1)
        Y = _matmul(h, A)
        Y3, Y2, Y1, Y0, Ysk = (Y[:, :80], Y[:, 80:160], Y[:, 160:240],
                               Y[:, 240:320], Y[:, 320:400])
        s4, _ = prop_q(_quarters(dinv * Y3, 20, 24), 24, 20)
        s4, _ = prop_q(_quarters(dinv * Y2, 20, 24) - d2q * s4, 24, 20)
        _, sw = prop_q(_quarters(dinv * Y1, 20, 24) - d2q * s4, 24, 20)
        s = jnp.concatenate([sw[:_N, 24 * q:24 * q + 20] for q in range(4)],
                            axis=1)
        pre = Y0 - dinv * s
        scale = gam * lax.rsqrt(var + 1e-5)
        shift = bet - mean * scale + b * scale
        h = jax.nn.relu(pre * scale + shift) + Ysk + skb

    hc = jnp.concatenate([h, x], axis=1)
    Am = jnp.concatenate([mix_W[1], mix_W[0]], axis=1)
    Ym = _matmul(hc, Am)
    g = jnp.pad(dinv * Ym[:, :48], ((0, 0), (0, 16)))
    _, sw = prop_q(_quarters(g, 16, 16), 16, 16)
    return Ym[:, 48:96] + mix_b - dinv * sw[:_N, :48]

# --- scband reference (transcript-rebuilt; emitter-appended) ---
"""Pipeline reference for scband-graph-resnet-9405978378357 (READ-ONLY COPY).

The authoritative reference and input builder live on the scoring server;
editing this copy changes nothing except your own understanding.
"""

import jax, jax.numpy as jnp
import numpy as np

N_NODES = 50000
N_EDGES = 800000
F_IN = 96


def _param_specs():
    specs = {}
    specs["conv1_W"] = (4, 96, 80); specs["conv1_b"] = (80,)
    specs["sk1_W"] = (1, 96, 80); specs["sk1_b"] = (80,)
    for i in range(2, 6):
        specs["conv%d_W" % i] = (4, 80, 80); specs["conv%d_b" % i] = (80,)
        specs["sk%d_W" % i] = (1, 80, 80); specs["sk%d_b" % i] = (80,)
    specs["mix_W"] = (2, 176, 48); specs["mix_b"] = (48,)
    return specs


def setup_inputs(seed: int = 0):
    key = jax.random.key(seed)
    inp = {}
    inp["x"] = jax.random.normal(jax.random.fold_in(key, 0), (N_NODES, F_IN), dtype=jnp.float32)
    inp["edge_index"] = jax.random.randint(jax.random.fold_in(key, 1), (2, N_EDGES), 0, N_NODES, dtype=jnp.int32)
    c = 2
    for name, shp in _param_specs().items():
        inp[name] = jax.random.normal(jax.random.fold_in(key, c), shp, dtype=jnp.float32) * 0.1
        c += 1
    for i in range(1, 6):
        inp["bn%d_gamma" % i] = jnp.ones((80,), jnp.float32) + 0.1 * jax.random.normal(jax.random.fold_in(key, c), (80,), dtype=jnp.float32); c += 1
        inp["bn%d_beta" % i] = 0.1 * jax.random.normal(jax.random.fold_in(key, c), (80,), dtype=jnp.float32); c += 1
        inp["bn%d_mean" % i] = 0.1 * jax.random.normal(jax.random.fold_in(key, c), (80,), dtype=jnp.float32); c += 1
        inp["bn%d_var" % i] = jnp.ones((80,), jnp.float32) + 0.5 * jax.random.uniform(jax.random.fold_in(key, c), (80,), dtype=jnp.float32); c += 1
    return inp


def _cheb(x, src, dst, dinv, W, b):
    # PyG ChebConv, normalization='sym', lambda_max=2 -> L_hat = -D^{-1/2} A D^{-1/2}
    w = -(dinv[src] * dinv[dst])

    def prop(h):
        return jax.ops.segment_sum(w[:, None] * h[src], dst, num_segments=x.shape[0])

    Tx0 = x
    out = Tx0 @ W[0]
    K = W.shape[0]
    if K > 1:
        Tx1 = prop(Tx0)
        out = out + Tx1 @ W[1]
        for k in range(2, K):
            Tx2 = 2.0 * prop(Tx1) - Tx0
            out = out + Tx2 @ W[k]
            Tx0, Tx1 = Tx1, Tx2
    return out + b


def _bn(x, g, b, m, v):
    # eval-mode BatchNorm1d with running stats
    return (x - m) / jnp.sqrt(v + 1e-5) * g + b


def reference(x, edge_index,
              conv1_W, conv1_b, sk1_W, sk1_b,
              conv2_W, conv2_b, sk2_W, sk2_b,
              conv3_W, conv3_b, sk3_W, sk3_b,
              conv4_W, conv4_b, sk4_W, sk4_b,
              conv5_W, conv5_b, sk5_W, sk5_b,
              mix_W, mix_b,
              bn1_gamma, bn1_beta, bn1_mean, bn1_var,
              bn2_gamma, bn2_beta, bn2_mean, bn2_var,
              bn3_gamma, bn3_beta, bn3_mean, bn3_var,
              bn4_gamma, bn4_beta, bn4_mean, bn4_var,
              bn5_gamma, bn5_beta, bn5_mean, bn5_var):
    p = dict(locals())
    del p["x"], p["edge_index"]
    src = edge_index[0]
    dst = edge_index[1]
    n = x.shape[0]
    deg = jnp.zeros((n,), x.dtype).at[src].add(1.0)
    dinv = jnp.where(deg > 0, 1.0 / jnp.sqrt(jnp.where(deg > 0, deg, 1.0)), 0.0)
    h = x
    for i in range(1, 6):
        blk = jax.nn.relu(_bn(_cheb(h, src, dst, dinv, p["conv%d_W" % i], p["conv%d_b" % i]),
                              p["bn%d_gamma" % i], p["bn%d_beta" % i], p["bn%d_mean" % i], p["bn%d_var" % i]))
        # dropout is identity in eval mode
        h = blk + _cheb(h, src, dst, dinv, p["sk%d_W" % i], p["sk%d_b" % i])
    hc = jnp.concatenate([h, x], axis=1)
    return _cheb(hc, src, dst, dinv, p["mix_W"], p["mix_b"])

if __name__ == "__main__":
    import jax
    _d = setup_inputs()
    print(jax.jit(kernel)(*tuple(_d.values())))

</pallas_src>

<mosaic_0001>
#map = affine_map<(d0, d1) -> (0, 0)>
#map1 = affine_map<(d0, d1) -> (0, 0, 0)>
module attributes {stable_mosaic.version = 14 : i64} {
  func.func @_deg_body(%arg0: i32, %arg1: i32, %arg2: memref<1600x512xi32, #tpu.memory_space<hbm>>, %arg3: memref<2x50048x16xf32, #tpu.memory_space<hbm>>, %arg4: memref<2x512xi32, #tpu.memory_space<vmem>>, %arg5: memref<512x16xf32, #tpu.memory_space<vmem>>, %arg6: memref<136x16xf32, #tpu.memory_space<vmem>>, %arg7: memref<!tpu.dma_semaphore, #tpu.memory_space<semaphore_mem>>, %arg8: memref<!tpu.dma_semaphore, #tpu.memory_space<semaphore_mem>>, %arg9: memref<!tpu.dma_semaphore, #tpu.memory_space<semaphore_mem>>, %arg10: memref<!tpu.dma_semaphore, #tpu.memory_space<semaphore_mem>>, %arg11: memref<50048x16xf32, #tpu.memory_space<vmem_shared>>) attributes {dimension_semantics = [#tpu.dimension_semantics<core_parallel>, #tpu.dimension_semantics<subcore_parallel>], iteration_bounds = array<i64: 2, 16>, scalar_prefetch = 0 : i64, scratch_operands = 8 : i64, tpu.core_type = #tpu.core_type<sc_vector_subcore>, window_params = [{transform_indices = #map}, {transform_indices = #map1}]} {
    %scan3A = arith.constant 0 : i32
    %scan3A_0 = arith.constant 512 : i32
    %scan3A_1 = arith.addi %scan3A, %scan3A_0 : i32
    %scan3A_2 = arith.constant 1 : i32
    scf.for %scan3A_303 = %scan3A to %scan3A_1 step %scan3A_2  : i32 {
      %broadcast_in_dim3A = arith.constant 1.000000e+00 : f32
      %broadcast_in_dim3A_304 = vector.broadcast %broadcast_in_dim3A : f32 to vector<16xf32>
      %swap3A = arith.index_cast %scan3A_303 : i32 to index
      %swap3A_305 = arith.constant 0 : index
      %swap3A_306 = tpu.vector_load %arg5[%swap3A, %swap3A_305] {strides = array<i32>} : memref<512x16xf32, #tpu.memory_space<vmem>>, vector<1x16xf32>,
      %swap3A_307 = vector.shape_cast %swap3A_306 : vector<1x16xf32> to vector<16xf32>
      %swap3A_308 = vector.shape_cast %broadcast_in_dim3A_304 : vector<16xf32> to vector<1x16xf32>
      tpu.vector_store %arg5[%swap3A, %swap3A_305], %swap3A_308 {strides = array<i32>} : memref<512x16xf32, #tpu.memory_space<vmem>>, vector<1x16xf32>,
    }
    %scan3A_3 = arith.constant 512 : i32
    %scan3A_4 = arith.constant 0 : i32
    %scan3A_5 = arith.constant 136 : i32
    %scan3A_6 = arith.addi %scan3A_4, %scan3A_5 : i32
    %scan3A_7 = arith.constant 1 : i32
    scf.for %scan3A_303 = %scan3A_4 to %scan3A_6 step %scan3A_7  : i32 {
      %broadcast_in_dim3A = arith.constant 0.000000e+00 : f32
      %broadcast_in_dim3A_304 = vector.broadcast %broadcast_in_dim3A : f32 to vector<16xf32>
      %swap3A = arith.index_cast %scan3A_303 : i32 to index
      %swap3A_305 = arith.constant 0 : index
      %swap3A_306 = tpu.vector_load %arg6[%swap3A, %swap3A_305] {strides = array<i32>} : memref<136x16xf32, #tpu.memory_space<vmem>>, vector<1x16xf32>,
      %swap3A_307 = vector.shape_cast %swap3A_306 : vector<1x16xf32> to vector<16xf32>
      %swap3A_308 = vector.shape_cast %broadcast_in_dim3A_304 : vector<16xf32> to vector<1x16xf32>
      tpu.vector_store %arg6[%swap3A, %swap3A_305], %swap3A_308 {strides = array<i32>} : memref<136x16xf32, #tpu.memory_space<vmem>>, vector<1x16xf32>,
    }
    %scan3A_8 = arith.constant 136 : i32
    %mul3A = arith.constant 3128 : i32
    %mul3A_9 = arith.muli %arg1, %mul3A : i32
    %add3A = arith.constant 0 : i32
    %add3A_10 = arith.addi %mul3A_9, %add3A : i32
    %dma_start3A = arith.constant 0 : i32
    %dma_start3A_11 = tpu.memref_slice %arg11[%add3A_10, %dma_start3A] : memref<50048x16xf32, #tpu.memory_space<vmem_shared>> -> memref<136x16xf32, #tpu.memory_space<vmem_shared>>
    %dma_start3A_12 = arith.constant 0 : i32
    %dma_start3A_13 = tpu.memref_slice %arg11[%add3A_10, %dma_start3A_12] : memref<50048x16xf32, #tpu.memory_space<vmem_shared>> -> memref<136x16xf32, #tpu.memory_space<vmem_shared>>
    tpu.enqueue_dma source(%arg6 : memref<136x16xf32, #tpu.memory_space<vmem>>) target(%dma_start3A_13 : memref<136x16xf32, #tpu.memory_space<vmem_shared>>) target_semaphore(%arg9 : memref<!tpu.dma_semaphore, #tpu.memory_space<semaphore_mem>>)
    %add3A_14 = arith.constant 136 : i32
    %add3A_15 = arith.addi %mul3A_9, %add3A_14 : i32
    %dma_start3A_16 = arith.constant 0 : i32
    %dma_start3A_17 = tpu.memref_slice %arg11[%add3A_15, %dma_start3A_16] : memref<50048x16xf32, #tpu.memory_space<vmem_shared>> -> memref<136x16xf32, #tpu.memory_space<vmem_shared>>
    %dma_start3A_18 = arith.constant 0 : i32
    %dma_start3A_19 = tpu.memref_slice %arg11[%add3A_15, %dma_start3A_18] : memref<50048x16xf32, #tpu.memory_space<vmem_shared>> -> memref<136x16xf32, #tpu.memory_space<vmem_shared>>
    tpu.enqueue_dma source(%arg6 : memref<136x16xf32, #tpu.memory_space<vmem>>) target(%dma_start3A_19 : memref<136x16xf32, #tpu.memory_space<vmem_shared>>) target_semaphore(%arg9 : memref<!tpu.dma_semaphore, #tpu.memory_space<semaphore_mem>>)
    %add3A_20 = arith.constant 272 : i32
    %add3A_21 = arith.addi %mul3A_9, %add3A_20 : i32
    %dma_start3A_22 = arith.constant 0 : i32
    %dma_start3A_23 = tpu.memref_slice %arg11[%add3A_21, %dma_start3A_22] : memref<50048x16xf32, #tpu.memory_space<vmem_shared>> -> memref<136x16xf32, #tpu.memory_space<vmem_shared>>
    %dma_start3A_24 = arith.constant 0 : i32
    %dma_start3A_25 = tpu.memref_slice %arg11[%add3A_21, %dma_start3A_24] : memref<50048x16xf32, #tpu.memory_space<vmem_shared>> -> memref<136x16xf32, #tpu.memory_space<vmem_shared>>
    tpu.enqueue_dma source(%arg6 : memref<136x16xf32, #tpu.memory_space<vmem>>) target(%dma_start3A_25 : memref<136x16xf32, #tpu.memory_space<vmem_shared>>) target_semaphore(%arg9 : memref<!tpu.dma_semaphore, #tpu.memory_space<semaphore_mem>>)
    %add3A_26 = arith.constant 408 : i32
    %add3A_27 = arith.addi %mul3A_9, %add3A_26 : i32
    %dma_start3A_28 = arith.constant 0 : i32
    %dma_start3A_29 = tpu.memref_slice %arg11[%add3A_27, %dma_start3A_28] : memref<50048x16xf32, #tpu.memory_space<vmem_shared>> -> memref<136x16xf32, #tpu.memory_space<vmem_shared>>
    %dma_start3A_30 = arith.constant 0 : i32
    %dma_start3A_31 = tpu.memref_slice %arg11[%add3A_27, %dma_start3A_30] : memref<50048x16xf32, #tpu.memory_space<vmem_shared>> -> memref<136x16xf32, #tpu.memory_space<vmem_shared>>
    tpu.enqueue_dma source(%arg6 : memref<136x16xf32, #tpu.memory_space<vmem>>) target(%dma_start3A_31 : memref<136x16xf32, #tpu.memory_space<vmem_shared>>) target_semaphore(%arg9 : memref<!tpu.dma_semaphore, #tpu.memory_space<semaphore_mem>>)
    %add3A_32 = arith.constant 544 : i32
    %add3A_33 = arith.addi %mul3A_9, %add3A_32 : i32
    %dma_start3A_34 = arith.constant 0 : i32
    %dma_start3A_35 = tpu.memref_slice %arg11[%add3A_33, %dma_start3A_34] : memref<50048x16xf32, #tpu.memory_space<vmem_shared>> -> memref<136x16xf32, #tpu.memory_space<vmem_shared>>
    %dma_start3A_36 = arith.constant 0 : i32
    %dma_start3A_37 = tpu.memref_slice %arg11[%add3A_33, %dma_start3A_36] : memref<50048x16xf32, #tpu.memory_space<vmem_shared>> -> memref<136x16xf32, #tpu.memory_space<vmem_shared>>
    tpu.enqueue_dma source(%arg6 : memref<136x16xf32, #tpu.memory_space<vmem>>) target(%dma_start3A_37 : memref<136x16xf32, #tpu.memory_space<vmem_shared>>) target_semaphore(%arg9 : memref<!tpu.dma_semaphore, #tpu.memory_space<semaphore_mem>>)
    %add3A_38 = arith.constant 680 : i32
    %add3A_39 = arith.addi %mul3A_9, %add3A_38 : i32
    %dma_start3A_40 = arith.constant 0 : i32
    %dma_start3A_41 = tpu.memref_slice %arg11[%add3A_39, %dma_start3A_40] : memref<50048x16xf32, #tpu.memory_space<vmem_shared>> -> memref<136x16xf32, #tpu.memory_space<vmem_shared>>
    %dma_start3A_42 = arith.constant 0 : i32
    %dma_start3A_43 = tpu.memref_slice %arg11[%add3A_39, %dma_start3A_42] : memref<50048x16xf32, #tpu.memory_space<vmem_shared>> -> memref<136x16xf32, #tpu.memory_space<vmem_shared>>
    tpu.enqueue_dma source(%arg6 : memref<136x16xf32, #tpu.memory_space<vmem>>) target(%dma_start3A_43 : memref<136x16xf32, #tpu.memory_space<vmem_shared>>) target_semaphore(%arg9 : memref<!tpu.dma_semaphore, #tpu.memory_space<semaphore_mem>>)
    %add3A_44 = arith.constant 816 : i32
    %add3A_45 = arith.addi %mul3A_9, %add3A_44 : i32
    %dma_start3A_46 = arith.constant 0 : i32
    %dma_start3A_47 = tpu.memref_slice %arg11[%add3A_45, %dma_start3A_46] : memref<50048x16xf32, #tpu.memory_space<vmem_shared>> -> memref<136x16xf32, #tpu.memory_space<vmem_shared>>
    %dma_start3A_48 = arith.constant 0 : i32
    %dma_start3A_49 = tpu.memref_slice %arg11[%add3A_45, %dma_start3A_48] : memref<50048x16xf32, #tpu.memory_space<vmem_shared>> -> memref<136x16xf32, #tpu.memory_space<vmem_shared>>
    tpu.enqueue_dma source(%arg6 : memref<136x16xf32, #tpu.memory_space<vmem>>) target(%dma_start3A_49 : memref<136x16xf32, #tpu.memory_space<vmem_shared>>) target_semaphore(%arg9 : memref<!tpu.dma_semaphore, #tpu.memory_space<semaphore_mem>>)
    %add3A_50 = arith.constant 952 : i32
    %add3A_51 = arith.addi %mul3A_9, %add3A_50 : i32
    %dma_start3A_52 = arith.constant 0 : i32
    %dma_start3A_53 = tpu.memref_slice %arg11[%add3A_51, %dma_start3A_52] : memref<50048x16xf32, #tpu.memory_space<vmem_shared>> -> memref<136x16xf32, #tpu.memory_space<vmem_shared>>
    %dma_start3A_54 = arith.constant 0 : i32
    %dma_start3A_55 = tpu.memref_slice %arg11[%add3A_51, %dma_start3A_54] : memref<50048x16xf32, #tpu.memory_space<vmem_shared>> -> memref<136x16xf32, #tpu.memory_space<vmem_shared>>
    tpu.enqueue_dma source(%arg6 : memref<136x16xf32, #tpu.memory_space<vmem>>) target(%dma_start3A_55 : memref<136x16xf32, #tpu.memory_space<vmem_shared>>) target_semaphore(%arg9 : memref<!tpu.dma_semaphore, #tpu.memory_space<semaphore_mem>>)
    %add3A_56 = arith.constant 1088 : i32
    %add3A_57 = arith.addi %mul3A_9, %add3A_56 : i32
    %dma_start3A_58 = arith.constant 0 : i32
    %dma_start3A_59 = tpu.memref_slice %arg11[%add3A_57, %dma_start3A_58] : memref<50048x16xf32, #tpu.memory_space<vmem_shared>> -> memref<136x16xf32, #tpu.memory_space<vmem_shared>>
    %dma_start3A_60 = arith.constant 0 : i32
    %dma_start3A_61 = tpu.memref_slice %arg11[%add3A_57, %dma_start3A_60] : memref<50048x16xf32, #tpu.memory_space<vmem_shared>> -> memref<136x16xf32, #tpu.memory_space<vmem_shared>>
    tpu.enqueue_dma source(%arg6 : memref<136x16xf32, #tpu.memory_space<vmem>>) target(%dma_start3A_61 : memref<136x16xf32, #tpu.memory_space<vmem_shared>>) target_semaphore(%arg9 : memref<!tpu.dma_semaphore, #tpu.memory_space<semaphore_mem>>)
    %add3A_62 = arith.constant 1224 : i32
    %add3A_63 = arith.addi %mul3A_9, %add3A_62 : i32
    %dma_start3A_64 = arith.constant 0 : i32
    %dma_start3A_65 = tpu.memref_slice %arg11[%add3A_63, %dma_start3A_64] : memref<50048x16xf32, #tpu.memory_space<vmem_shared>> -> memref<136x16xf32, #tpu.memory_space<vmem_shared>>
    %dma_start3A_66 = arith.constant 0 : i32
    %dma_start3A_67 = tpu.memref_slice %arg11[%add3A_63, %dma_start3A_66] : memref<50048x16xf32, #tpu.memory_space<vmem_shared>> -> memref<136x16xf32, #tpu.memory_space<vmem_shared>>
    tpu.enqueue_dma source(%arg6 : memref<136x16xf32, #tpu.memory_space<vmem>>) target(%dma_start3A_67 : memref<136x16xf32, #tpu.memory_space<vmem_shared>>) target_semaphore(%arg9 : memref<!tpu.dma_semaphore, #tpu.memory_space<semaphore_mem>>)
    %add3A_68 = arith.constant 1360 : i32
    %add3A_69 = arith.addi %mul3A_9, %add3A_68 : i32
    %dma_start3A_70 = arith.constant 0 : i32
    %dma_start3A_71 = tpu.memref_slice %arg11[%add3A_69, %dma_start3A_70] : memref<50048x16xf32, #tpu.memory_space<vmem_shared>> -> memref<136x16xf32, #tpu.memory_space<vmem_shared>>
    %dma_start3A_72 = arith.constant 0 : i32
    %dma_start3A_73 = tpu.memref_slice %arg11[%add3A_69, %dma_start3A_72] : memref<50048x16xf32, #tpu.memory_space<vmem_shared>> -> memref<136x16xf32, #tpu.memory_space<vmem_shared>>
    tpu.enqueue_dma source(%arg6 : memref<136x16xf32, #tpu.memory_space<vmem>>) target(%dma_start3A_73 : memref<136x16xf32, #tpu.memory_space<vmem_shared>>) target_semaphore(%arg9 : memref<!tpu.dma_semaphore, #tpu.memory_space<semaphore_mem>>)
    %add3A_74 = arith.constant 1496 : i32
    %add3A_75 = arith.addi %mul3A_9, %add3A_74 : i32
    %dma_start3A_76 = arith.constant 0 : i32
    %dma_start3A_77 = tpu.memref_slice %arg11[%add3A_75, %dma_start3A_76] : memref<50048x16xf32, #tpu.memory_space<vmem_shared>> -> memref<136x16xf32, #tpu.memory_space<vmem_shared>>
    %dma_start3A_78 = arith.constant 0 : i32
    %dma_start3A_79 = tpu.memref_slice %arg11[%add3A_75, %dma_start3A_78] : memref<50048x16xf32, #tpu.memory_space<vmem_shared>> -> memref<136x16xf32, #tpu.memory_space<vmem_shared>>
    tpu.enqueue_dma source(%arg6 : memref<136x16xf32, #tpu.memory_space<vmem>>) target(%dma_start3A_79 : memref<136x16xf32, #tpu.memory_space<vmem_shared>>) target_semaphore(%arg9 : memref<!tpu.dma_semaphore, #tpu.memory_space<semaphore_mem>>)
    %add3A_80 = arith.constant 1632 : i32
    %add3A_81 = arith.addi %mul3A_9, %add3A_80 : i32
    %dma_start3A_82 = arith.constant 0 : i32
    %dma_start3A_83 = tpu.memref_slice %arg11[%add3A_81, %dma_start3A_82] : memref<50048x16xf32, #tpu.memory_space<vmem_shared>> -> memref<136x16xf32, #tpu.memory_space<vmem_shared>>
    %dma_start3A_84 = arith.constant 0 : i32
    %dma_start3A_85 = tpu.memref_slice %arg11[%add3A_81, %dma_start3A_84] : memref<50048x16xf32, #tpu.memory_space<vmem_shared>> -> memref<136x16xf32, #tpu.memory_space<vmem_shared>>
    tpu.enqueue_dma source(%arg6 : memref<136x16xf32, #tpu.memory_space<vmem>>) target(%dma_start3A_85 : memref<136x16xf32, #tpu.memory_space<vmem_shared>>) target_semaphore(%arg9 : memref<!tpu.dma_semaphore, #tpu.memory_space<semaphore_mem>>)
    %add3A_86 = arith.constant 1768 : i32
    %add3A_87 = arith.addi %mul3A_9, %add3A_86 : i32
    %dma_start3A_88 = arith.constant 0 : i32
    %dma_start3A_89 = tpu.memref_slice %arg11[%add3A_87, %dma_start3A_88] : memref<50048x16xf32, #tpu.memory_space<vmem_shared>> -> memref<136x16xf32, #tpu.memory_space<vmem_shared>>
    %dma_start3A_90 = arith.constant 0 : i32
    %dma_start3A_91 = tpu.memref_slice %arg11[%add3A_87, %dma_start3A_90] : memref<50048x16xf32, #tpu.memory_space<vmem_shared>> -> memref<136x16xf32, #tpu.memory_space<vmem_shared>>
    tpu.enqueue_dma source(%arg6 : memref<136x16xf32, #tpu.memory_space<vmem>>) target(%dma_start3A_91 : memref<136x16xf32, #tpu.memory_space<vmem_shared>>) target_semaphore(%arg9 : memref<!tpu.dma_semaphore, #tpu.memory_space<semaphore_mem>>)
    %add3A_92 = arith.constant 1904 : i32
    %add3A_93 = arith.addi %mul3A_9, %add3A_92 : i32
    %dma_start3A_94 = arith.constant 0 : i32
    %dma_start3A_95 = tpu.memref_slice %arg11[%add3A_93, %dma_start3A_94] : memref<50048x16xf32, #tpu.memory_space<vmem_shared>> -> memref<136x16xf32, #tpu.memory_space<vmem_shared>>
    %dma_start3A_96 = arith.constant 0 : i32
    %dma_start3A_97 = tpu.memref_slice %arg11[%add3A_93, %dma_start3A_96] : memref<50048x16xf32, #tpu.memory_space<vmem_shared>> -> memref<136x16xf32, #tpu.memory_space<vmem_shared>>
    tpu.enqueue_dma source(%arg6 : memref<136x16xf32, #tpu.memory_space<vmem>>) target(%dma_start3A_97 : memref<136x16xf32, #tpu.memory_space<vmem_shared>>) target_semaphore(%arg9 : memref<!tpu.dma_semaphore, #tpu.memory_space<semaphore_mem>>)
    %add3A_98 = arith.constant 2040 : i32
    %add3A_99 = arith.addi %mul3A_9, %add3A_98 : i32
    %dma_start3A_100 = arith.constant 0 : i32
    %dma_start3A_101 = tpu.memref_slice %arg11[%add3A_99, %dma_start3A_100] : memref<50048x16xf32, #tpu.memory_space<vmem_shared>> -> memref<136x16xf32, #tpu.memory_space<vmem_shared>>
    %dma_start3A_102 = arith.constant 0 : i32
    %dma_start3A_103 = tpu.memref_slice %arg11[%add3A_99, %dma_start3A_102] : memref<50048x16xf32, #tpu.memory_space<vmem_shared>> -> memref<136x16xf32, #tpu.memory_space<vmem_shared>>
    tpu.enqueue_dma source(%arg6 : memref<136x16xf32, #tpu.memory_space<vmem>>) target(%dma_start3A_103 : memref<136x16xf32, #tpu.memory_space<vmem_shared>>) target_semaphore(%arg9 : memref<!tpu.dma_semaphore, #tpu.memory_space<semaphore_mem>>)
    %add3A_104 = arith.constant 2176 : i32
    %add3A_105 = arith.addi %mul3A_9, %add3A_104 : i32
    %dma_start3A_106 = arith.constant 0 : i32
    %dma_start3A_107 = tpu.memref_slice %arg11[%add3A_105, %dma_start3A_106] : memref<50048x16xf32, #tpu.memory_space<vmem_shared>> -> memref<136x16xf32, #tpu.memory_space<vmem_shared>>
    %dma_start3A_108 = arith.constant 0 : i32
    %dma_start3A_109 = tpu.memref_slice %arg11[%add3A_105, %dma_start3A_108] : memref<50048x16xf32, #tpu.memory_space<vmem_shared>> -> memref<136x16xf32, #tpu.memory_space<vmem_shared>>
    tpu.enqueue_dma source(%arg6 : memref<136x16xf32, #tpu.memory_space<vmem>>) target(%dma_start3A_109 : memref<136x16xf32, #tpu.memory_space<vmem_shared>>) target_semaphore(%arg9 : memref<!tpu.dma_semaphore, #tpu.memory_space<semaphore_mem>>)
    %add3A_110 = arith.constant 2312 : i32
    %add3A_111 = arith.addi %mul3A_9, %add3A_110 : i32
    %dma_start3A_112 = arith.constant 0 : i32
    %dma_start3A_113 = tpu.memref_slice %arg11[%add3A_111, %dma_start3A_112] : memref<50048x16xf32, #tpu.memory_space<vmem_shared>> -> memref<136x16xf32, #tpu.memory_space<vmem_shared>>
    %dma_start3A_114 = arith.constant 0 : i32
    %dma_start3A_115 = tpu.memref_slice %arg11[%add3A_111, %dma_start3A_114] : memref<50048x16xf32, #tpu.memory_space<vmem_shared>> -> memref<136x16xf32, #tpu.memory_space<vmem_shared>>
    tpu.enqueue_dma source(%arg6 : memref<136x16xf32, #tpu.memory_space<vmem>>) target(%dma_start3A_115 : memref<136x16xf32, #tpu.memory_space<vmem_shared>>) target_semaphore(%arg9 : memref<!tpu.dma_semaphore, #tpu.memory_space<semaphore_mem>>)
    %add3A_116 = arith.constant 2448 : i32
    %add3A_117 = arith.addi %mul3A_9, %add3A_116 : i32
    %dma_start3A_118 = arith.constant 0 : i32
    %dma_start3A_119 = tpu.memref_slice %arg11[%add3A_117, %dma_start3A_118] : memref<50048x16xf32, #tpu.memory_space<vmem_shared>> -> memref<136x16xf32, #tpu.memory_space<vmem_shared>>
    %dma_start3A_120 = arith.constant 0 : i32
    %dma_start3A_121 = tpu.memref_slice %arg11[%add3A_117, %dma_start3A_120] : memref<50048x16xf32, #tpu.memory_space<vmem_shared>> -> memref<136x16xf32, #tpu.memory_space<vmem_shared>>
    tpu.enqueue_dma source(%arg6 : memref<136x16xf32, #tpu.memory_space<vmem>>) target(%dma_start3A_121 : memref<136x16xf32, #tpu.memory_space<vmem_shared>>) target_semaphore(%arg9 : memref<!tpu.dma_semaphore, #tpu.memory_space<semaphore_mem>>)
    %add3A_122 = arith.constant 2584 : i32
    %add3A_123 = arith.addi %mul3A_9, %add3A_122 : i32
    %dma_start3A_124 = arith.constant 0 : i32
    %dma_start3A_125 = tpu.memref_slice %arg11[%add3A_123, %dma_start3A_124] : memref<50048x16xf32, #tpu.memory_space<vmem_shared>> -> memref<136x16xf32, #tpu.memory_space<vmem_shared>>
    %dma_start3A_126 = arith.constant 0 : i32
    %dma_start3A_127 = tpu.memref_slice %arg11[%add3A_123, %dma_start3A_126] : memref<50048x16xf32, #tpu.memory_space<vmem_shared>> -> memref<136x16xf32, #tpu.memory_space<vmem_shared>>
    tpu.enqueue_dma source(%arg6 : memref<136x16xf32, #tpu.memory_space<vmem>>) target(%dma_start3A_127 : memref<136x16xf32, #tpu.memory_space<vmem_shared>>) target_semaphore(%arg9 : memref<!tpu.dma_semaphore, #tpu.memory_space<semaphore_mem>>)
    %add3A_128 = arith.constant 2720 : i32
    %add3A_129 = arith.addi %mul3A_9, %add3A_128 : i32
    %dma_start3A_130 = arith.constant 0 : i32
    %dma_start3A_131 = tpu.memref_slice %arg11[%add3A_129, %dma_start3A_130] : memref<50048x16xf32, #tpu.memory_space<vmem_shared>> -> memref<136x16xf32, #tpu.memory_space<vmem_shared>>
    %dma_start3A_132 = arith.constant 0 : i32
    %dma_start3A_133 = tpu.memref_slice %arg11[%add3A_129, %dma_start3A_132] : memref<50048x16xf32, #tpu.memory_space<vmem_shared>> -> memref<136x16xf32, #tpu.memory_space<vmem_shared>>
    tpu.enqueue_dma source(%arg6 : memref<136x16xf32, #tpu.memory_space<vmem>>) target(%dma_start3A_133 : memref<136x16xf32, #tpu.memory_space<vmem_shared>>) target_semaphore(%arg9 : memref<!tpu.dma_semaphore, #tpu.memory_space<semaphore_mem>>)
    %add3A_134 = arith.constant 2856 : i32
    %add3A_135 = arith.addi %mul3A_9, %add3A_134 : i32
    %dma_start3A_136 = arith.constant 0 : i32
    %dma_start3A_137 = tpu.memref_slice %arg11[%add3A_135, %dma_start3A_136] : memref<50048x16xf32, #tpu.memory_space<vmem_shared>> -> memref<136x16xf32, #tpu.memory_space<vmem_shared>>
    %dma_start3A_138 = arith.constant 0 : i32
    %dma_start3A_139 = tpu.memref_slice %arg11[%add3A_135, %dma_start3A_138] : memref<50048x16xf32, #tpu.memory_space<vmem_shared>> -> memref<136x16xf32, #tpu.memory_space<vmem_shared>>
    tpu.enqueue_dma source(%arg6 : memref<136x16xf32, #tpu.memory_space<vmem>>) target(%dma_start3A_139 : memref<136x16xf32, #tpu.memory_space<vmem_shared>>) target_semaphore(%arg9 : memref<!tpu.dma_semaphore, #tpu.memory_space<semaphore_mem>>)
    %add3A_140 = arith.constant 2992 : i32
    %add3A_141 = arith.addi %mul3A_9, %add3A_140 : i32
    %dma_start3A_142 = arith.constant 0 : i32
    %dma_start3A_143 = tpu.memref_slice %arg11[%add3A_141, %dma_start3A_142] : memref<50048x16xf32, #tpu.memory_space<vmem_shared>> -> memref<136x16xf32, #tpu.memory_space<vmem_shared>>
    %dma_start3A_144 = arith.constant 0 : i32
    %dma_start3A_145 = tpu.memref_slice %arg11[%add3A_141, %dma_start3A_144] : memref<50048x16xf32, #tpu.memory_space<vmem_shared>> -> memref<136x16xf32, #tpu.memory_space<vmem_shared>>
    tpu.enqueue_dma source(%arg6 : memref<136x16xf32, #tpu.memory_space<vmem>>) target(%dma_start3A_145 : memref<136x16xf32, #tpu.memory_space<vmem_shared>>) target_semaphore(%arg9 : memref<!tpu.dma_semaphore, #tpu.memory_space<semaphore_mem>>)
    %add3A_146 = arith.constant 0 : i32
    %add3A_147 = arith.addi %mul3A_9, %add3A_146 : i32
    %dma_wait3A = arith.constant 0 : i32
    %dma_wait3A_148 = tpu.memref_slice %arg11[%add3A_147, %dma_wait3A] : memref<50048x16xf32, #tpu.memory_space<vmem_shared>> -> memref<136x16xf32, #tpu.memory_space<vmem_shared>>
    %dma_wait3A_149 = arith.constant 0 : i32
    %dma_wait3A_150 = tpu.memref_slice %arg11[%add3A_147, %dma_wait3A_149] : memref<50048x16xf32, #tpu.memory_space<vmem_shared>> -> memref<136x16xf32, #tpu.memory_space<vmem_shared>>
    tpu.wait_dma2 semaphore(%arg9 : memref<!tpu.dma_semaphore, #tpu.memory_space<semaphore_mem>>) src(%arg6 : memref<136x16xf32, #tpu.memory_space<vmem>>) dst(%dma_wait3A_150 : memref<136x16xf32, #tpu.memory_space<vmem_shared>>)
    %add3A_151 = arith.constant 136 : i32
    %add3A_152 = arith.addi %mul3A_9, %add3A_151 : i32
    %dma_wait3A_153 = arith.constant 0 : i32
    %dma_wait3A_154 = tpu.memref_slice %arg11[%add3A_152, %dma_wait3A_153] : memref<50048x16xf32, #tpu.memory_space<vmem_shared>> -> memref<136x16xf32, #tpu.memory_space<vmem_shared>>
    %dma_wait3A_155 = arith.constant 0 : i32
    %dma_wait3A_156 = tpu.memref_slice %arg11[%add3A_152, %dma_wait3A_155] : memref<50048x16xf32, #tpu.memory_space<vmem_shared>> -> memref<136x16xf32, #tpu.memory_space<vmem_shared>>
    tpu.wait_dma2 semaphore(%arg9 : memref<!tpu.dma_semaphore, #tpu.memory_space<semaphore_mem>>) src(%arg6 : memref<136x16xf32, #tpu.memory_space<vmem>>) dst(%dma_wait3A_156 : memref<136x16xf32, #tpu.memory_space<vmem_shared>>)
    %add3A_157 = arith.constant 272 : i32
    %add3A_158 = arith.addi %mul3A_9, %add3A_157 : i32
    %dma_wait3A_159 = arith.constant 0 : i32
    %dma_wait3A_160 = tpu.memref_slice %arg11[%add3A_158, %dma_wait3A_159] : memref<50048x16xf32, #tpu.memory_space<vmem_shared>> -> memref<136x16xf32, #tpu.memory_space<vmem_shared>>
    %dma_wait3A_161 = arith.constant 0 : i32
    %dma_wait3A_162 = tpu.memref_slice %arg11[%add3A_158, %dma_wait3A_161] : memref<50048x16xf32, #tpu.memory_space<vmem_shared>> -> memref<136x16xf32, #tpu.memory_space<vmem_shared>>
    tpu.wait_dma2 semaphore(%arg9 : memref<!tpu.dma_semaphore, #tpu.memory_space<semaphore_mem>>) src(%arg6 : memref<136x16xf32, #tpu.memory_space<vmem>>) dst(%dma_wait3A_162 : memref<136x16xf32, #tpu.memory_space<vmem_shared>>)
    %add3A_163 = arith.constant 408 : i32
    %add3A_164 = arith.addi %mul3A_9, %add3A_163 : i32
    %dma_wait3A_165 = arith.constant 0 : i32
    %dma_wait3A_166 = tpu.memref_slice %arg11[%add3A_164, %dma_wait3A_165] : memref<50048x16xf32, #tpu.memory_space<vmem_shared>> -> memref<136x16xf32, #tpu.memory_space<vmem_shared>>
    %dma_wait3A_167 = arith.constant 0 : i32
    %dma_wait3A_168 = tpu.memref_slice %arg11[%add3A_164, %dma_wait3A_167] : memref<50048x16xf32, #tpu.memory_space<vmem_shared>> -> memref<136x16xf32, #tpu.memory_space<vmem_shared>>
    tpu.wait_dma2 semaphore(%arg9 : memref<!tpu.dma_semaphore, #tpu.memory_space<semaphore_mem>>) src(%arg6 : memref<136x16xf32, #tpu.memory_space<vmem>>) dst(%dma_wait3A_168 : memref<136x16xf32, #tpu.memory_space<vmem_shared>>)
    %add3A_169 = arith.constant 544 : i32
    %add3A_170 = arith.addi %mul3A_9, %add3A_169 : i32
    %dma_wait3A_171 = arith.constant 0 : i32
    %dma_wait3A_172 = tpu.memref_slice %arg11[%add3A_170, %dma_wait3A_171] : memref<50048x16xf32, #tpu.memory_space<vmem_shared>> -> memref<136x16xf32, #tpu.memory_space<vmem_shared>>
    %dma_wait3A_173 = arith.constant 0 : i32
    %dma_wait3A_174 = tpu.memref_slice %arg11[%add3A_170, %dma_wait3A_173] : memref<50048x16xf32, #tpu.memory_space<vmem_shared>> -> memref<136x16xf32, #tpu.memory_space<vmem_shared>>
    tpu.wait_dma2 semaphore(%arg9 : memref<!tpu.dma_semaphore, #tpu.memory_space<semaphore_mem>>) src(%arg6 : memref<136x16xf32, #tpu.memory_space<vmem>>) dst(%dma_wait3A_174 : memref<136x16xf32, #tpu.memory_space<vmem_shared>>)
    %add3A_175 = arith.constant 680 : i32
    %add3A_176 = arith.addi %mul3A_9, %add3A_175 : i32
    %dma_wait3A_177 = arith.constant 0 : i32
    %dma_wait3A_178 = tpu.memref_slice %arg11[%add3A_176, %dma_wait3A_177] : memref<50048x16xf32, #tpu.memory_space<vmem_shared>> -> memref<136x16xf32, #tpu.memory_space<vmem_shared>>
    %dma_wait3A_179 = arith.constant 0 : i32
    %dma_wait3A_180 = tpu.memref_slice %arg11[%add3A_176, %dma_wait3A_179] : memref<50048x16xf32, #tpu.memory_space<vmem_shared>> -> memref<136x16xf32, #tpu.memory_space<vmem_shared>>
    tpu.wait_dma2 semaphore(%arg9 : memref<!tpu.dma_semaphore, #tpu.memory_space<semaphore_mem>>) src(%arg6 : memref<136x16xf32, #tpu.memory_space<vmem>>) dst(%dma_wait3A_180 : memref<136x16xf32, #tpu.memory_space<vmem_shared>>)
    %add3A_181 = arith.constant 816 : i32
    %add3A_182 = arith.addi %mul3A_9, %add3A_181 : i32
    %dma_wait3A_183 = arith.constant 0 : i32
    %dma_wait3A_184 = tpu.memref_slice %arg11[%add3A_182, %dma_wait3A_183] : memref<50048x16xf32, #tpu.memory_space<vmem_shared>> -> memref<136x16xf32, #tpu.memory_space<vmem_shared>>
    %dma_wait3A_185 = arith.constant 0 : i32
    %dma_wait3A_186 = tpu.memref_slice %arg11[%add3A_182, %dma_wait3A_185] : memref<50048x16xf32, #tpu.memory_space<vmem_shared>> -> memref<136x16xf32, #tpu.memory_space<vmem_shared>>
    tpu.wait_dma2 semaphore(%arg9 : memref<!tpu.dma_semaphore, #tpu.memory_space<semaphore_mem>>) src(%arg6 : memref<136x16xf32, #tpu.memory_space<vmem>>) dst(%dma_wait3A_186 : memref<136x16xf32, #tpu.memory_space<vmem_shared>>)
    %add3A_187 = arith.constant 952 : i32
    %add3A_188 = arith.addi %mul3A_9, %add3A_187 : i32
    %dma_wait3A_189 = arith.constant 0 : i32
    %dma_wait3A_190 = tpu.memref_slice %arg11[%add3A_188, %dma_wait3A_189] : memref<50048x16xf32, #tpu.memory_space<vmem_shared>> -> memref<136x16xf32, #tpu.memory_space<vmem_shared>>
    %dma_wait3A_191 = arith.constant 0 : i32
    %dma_wait3A_192 = tpu.memref_slice %arg11[%add3A_188, %dma_wait3A_191] : memref<50048x16xf32, #tpu.memory_space<vmem_shared>> -> memref<136x16xf32, #tpu.memory_space<vmem_shared>>
    tpu.wait_dma2 semaphore(%arg9 : memref<!tpu.dma_semaphore, #tpu.memory_space<semaphore_mem>>) src(%arg6 : memref<136x16xf32, #tpu.memory_space<vmem>>) dst(%dma_wait3A_192 : memref<136x16xf32, #tpu.memory_space<vmem_shared>>)
    %add3A_193 = arith.constant 1088 : i32
    %add3A_194 = arith.addi %mul3A_9, %add3A_193 : i32
    %dma_wait3A_195 = arith.constant 0 : i32
    %dma_wait3A_196 = tpu.memref_slice %arg11[%add3A_194, %dma_wait3A_195] : memref<50048x16xf32, #tpu.memory_space<vmem_shared>> -> memref<136x16xf32, #tpu.memory_space<vmem_shared>>
    %dma_wait3A_197 = arith.constant 0 : i32
    %dma_wait3A_198 = tpu.memref_slice %arg11[%add3A_194, %dma_wait3A_197] : memref<50048x16xf32, #tpu.memory_space<vmem_shared>> -> memref<136x16xf32, #tpu.memory_space<vmem_shared>>
    tpu.wait_dma2 semaphore(%arg9 : memref<!tpu.dma_semaphore, #tpu.memory_space<semaphore_mem>>) src(%arg6 : memref<136x16xf32, #tpu.memory_space<vmem>>) dst(%dma_wait3A_198 : memref<136x16xf32, #tpu.memory_space<vmem_shared>>)
    %add3A_199 = arith.constant 1224 : i32
    %add3A_200 = arith.addi %mul3A_9, %add3A_199 : i32
    %dma_wait3A_201 = arith.constant 0 : i32
    %dma_wait3A_202 = tpu.memref_slice %arg11[%add3A_200, %dma_wait3A_201] : memref<50048x16xf32, #tpu.memory_space<vmem_shared>> -> memref<136x16xf32, #tpu.memory_space<vmem_shared>>
    %dma_wait3A_203 = arith.constant 0 : i32
    %dma_wait3A_204 = tpu.memref_slice %arg11[%add3A_200, %dma_wait3A_203] : memref<50048x16xf32, #tpu.memory_space<vmem_shared>> -> memref<136x16xf32, #tpu.memory_space<vmem_shared>>
    tpu.wait_dma2 semaphore(%arg9 : memref<!tpu.dma_semaphore, #tpu.memory_space<semaphore_mem>>) src(%arg6 : memref<136x16xf32, #tpu.memory_space<vmem>>) dst(%dma_wait3A_204 : memref<136x16xf32, #tpu.memory_space<vmem_shared>>)
    %add3A_205 = arith.constant 1360 : i32
    %add3A_206 = arith.addi %mul3A_9, %add3A_205 : i32
    %dma_wait3A_207 = arith.constant 0 : i32
    %dma_wait3A_208 = tpu.memref_slice %arg11[%add3A_206, %dma_wait3A_207] : memref<50048x16xf32, #tpu.memory_space<vmem_shared>> -> memref<136x16xf32, #tpu.memory_space<vmem_shared>>
    %dma_wait3A_209 = arith.constant 0 : i32
    %dma_wait3A_210 = tpu.memref_slice %arg11[%add3A_206, %dma_wait3A_209] : memref<50048x16xf32, #tpu.memory_space<vmem_shared>> -> memref<136x16xf32, #tpu.memory_space<vmem_shared>>
    tpu.wait_dma2 semaphore(%arg9 : memref<!tpu.dma_semaphore, #tpu.memory_space<semaphore_mem>>) src(%arg6 : memref<136x16xf32, #tpu.memory_space<vmem>>) dst(%dma_wait3A_210 : memref<136x16xf32, #tpu.memory_space<vmem_shared>>)
    %add3A_211 = arith.constant 1496 : i32
    %add3A_212 = arith.addi %mul3A_9, %add3A_211 : i32
    %dma_wait3A_213 = arith.constant 0 : i32
    %dma_wait3A_214 = tpu.memref_slice %arg11[%add3A_212, %dma_wait3A_213] : memref<50048x16xf32, #tpu.memory_space<vmem_shared>> -> memref<136x16xf32, #tpu.memory_space<vmem_shared>>
    %dma_wait3A_215 = arith.constant 0 : i32
    %dma_wait3A_216 = tpu.memref_slice %arg11[%add3A_212, %dma_wait3A_215] : memref<50048x16xf32, #tpu.memory_space<vmem_shared>> -> memref<136x16xf32, #tpu.memory_space<vmem_shared>>
    tpu.wait_dma2 semaphore(%arg9 : memref<!tpu.dma_semaphore, #tpu.memory_space<semaphore_mem>>) src(%arg6 : memref<136x16xf32, #tpu.memory_space<vmem>>) dst(%dma_wait3A_216 : memref<136x16xf32, #tpu.memory_space<vmem_shared>>)
    %add3A_217 = arith.constant 1632 : i32
    %add3A_218 = arith.addi %mul3A_9, %add3A_217 : i32
    %dma_wait3A_219 = arith.constant 0 : i32
    %dma_wait3A_220 = tpu.memref_slice %arg11[%add3A_218, %dma_wait3A_219] : memref<50048x16xf32, #tpu.memory_space<vmem_shared>> -> memref<136x16xf32, #tpu.memory_space<vmem_shared>>
    %dma_wait3A_221 = arith.constant 0 : i32
    %dma_wait3A_222 = tpu.memref_slice %arg11[%add3A_218, %dma_wait3A_221] : memref<50048x16xf32, #tpu.memory_space<vmem_shared>> -> memref<136x16xf32, #tpu.memory_space<vmem_shared>>
    tpu.wait_dma2 semaphore(%arg9 : memref<!tpu.dma_semaphore, #tpu.memory_space<semaphore_mem>>) src(%arg6 : memref<136x16xf32, #tpu.memory_space<vmem>>) dst(%dma_wait3A_222 : memref<136x16xf32, #tpu.memory_space<vmem_shared>>)
    %add3A_223 = arith.constant 1768 : i32
    %add3A_224 = arith.addi %mul3A_9, %add3A_223 : i32
    %dma_wait3A_225 = arith.constant 0 : i32
    %dma_wait3A_226 = tpu.memref_slice %arg11[%add3A_224, %dma_wait3A_225] : memref<50048x16xf32, #tpu.memory_space<vmem_shared>> -> memref<136x16xf32, #tpu.memory_space<vmem_shared>>
    %dma_wait3A_227 = arith.constant 0 : i32
    %dma_wait3A_228 = tpu.memref_slice %arg11[%add3A_224, %dma_wait3A_227] : memref<50048x16xf32, #tpu.memory_space<vmem_shared>> -> memref<136x16xf32, #tpu.memory_space<vmem_shared>>
    tpu.wait_dma2 semaphore(%arg9 : memref<!tpu.dma_semaphore, #tpu.memory_space<semaphore_mem>>) src(%arg6 : memref<136x16xf32, #tpu.memory_space<vmem>>) dst(%dma_wait3A_228 : memref<136x16xf32, #tpu.memory_space<vmem_shared>>)
    %add3A_229 = arith.constant 1904 : i32
    %add3A_230 = arith.addi %mul3A_9, %add3A_229 : i32
    %dma_wait3A_231 = arith.constant 0 : i32
    %dma_wait3A_232 = tpu.memref_slice %arg11[%add3A_230, %dma_wait3A_231] : memref<50048x16xf32, #tpu.memory_space<vmem_shared>> -> memref<136x16xf32, #tpu.memory_space<vmem_shared>>
    %dma_wait3A_233 = arith.constant 0 : i32
    %dma_wait3A_234 = tpu.memref_slice %arg11[%add3A_230, %dma_wait3A_233] : memref<50048x16xf32, #tpu.memory_space<vmem_shared>> -> memref<136x16xf32, #tpu.memory_space<vmem_shared>>
    tpu.wait_dma2 semaphore(%arg9 : memref<!tpu.dma_semaphore, #tpu.memory_space<semaphore_mem>>) src(%arg6 : memref<136x16xf32, #tpu.memory_space<vmem>>) dst(%dma_wait3A_234 : memref<136x16xf32, #tpu.memory_space<vmem_shared>>)
    %add3A_235 = arith.constant 2040 : i32
    %add3A_236 = arith.addi %mul3A_9, %add3A_235 : i32
    %dma_wait3A_237 = arith.constant 0 : i32
    %dma_wait3A_238 = tpu.memref_slice %arg11[%add3A_236, %dma_wait3A_237] : memref<50048x16xf32, #tpu.memory_space<vmem_shared>> -> memref<136x16xf32, #tpu.memory_space<vmem_shared>>
    %dma_wait3A_239 = arith.constant 0 : i32
    %dma_wait3A_240 = tpu.memref_slice %arg11[%add3A_236, %dma_wait3A_239] : memref<50048x16xf32, #tpu.memory_space<vmem_shared>> -> memref<136x16xf32, #tpu.memory_space<vmem_shared>>
    tpu.wait_dma2 semaphore(%arg9 : memref<!tpu.dma_semaphore, #tpu.memory_space<semaphore_mem>>) src(%arg6 : memref<136x16xf32, #tpu.memory_space<vmem>>) dst(%dma_wait3A_240 : memref<136x16xf32, #tpu.memory_space<vmem_shared>>)
    %add3A_241 = arith.constant 2176 : i32
    %add3A_242 = arith.addi %mul3A_9, %add3A_241 : i32
    %dma_wait3A_243 = arith.constant 0 : i32
    %dma_wait3A_244 = tpu.memref_slice %arg11[%add3A_242, %dma_wait3A_243] : memref<50048x16xf32, #tpu.memory_space<vmem_shared>> -> memref<136x16xf32, #tpu.memory_space<vmem_shared>>
    %dma_wait3A_245 = arith.constant 0 : i32
    %dma_wait3A_246 = tpu.memref_slice %arg11[%add3A_242, %dma_wait3A_245] : memref<50048x16xf32, #tpu.memory_space<vmem_shared>> -> memref<136x16xf32, #tpu.memory_space<vmem_shared>>
    tpu.wait_dma2 semaphore(%arg9 : memref<!tpu.dma_semaphore, #tpu.memory_space<semaphore_mem>>) src(%arg6 : memref<136x16xf32, #tpu.memory_space<vmem>>) dst(%dma_wait3A_246 : memref<136x16xf32, #tpu.memory_space<vmem_shared>>)
    %add3A_247 = arith.constant 2312 : i32
    %add3A_248 = arith.addi %mul3A_9, %add3A_247 : i32
    %dma_wait3A_249 = arith.constant 0 : i32
    %dma_wait3A_250 = tpu.memref_slice %arg11[%add3A_248, %dma_wait3A_249] : memref<50048x16xf32, #tpu.memory_space<vmem_shared>> -> memref<136x16xf32, #tpu.memory_space<vmem_shared>>
    %dma_wait3A_251 = arith.constant 0 : i32
    %dma_wait3A_252 = tpu.memref_slice %arg11[%add3A_248, %dma_wait3A_251] : memref<50048x16xf32, #tpu.memory_space<vmem_shared>> -> memref<136x16xf32, #tpu.memory_space<vmem_shared>>
    tpu.wait_dma2 semaphore(%arg9 : memref<!tpu.dma_semaphore, #tpu.memory_space<semaphore_mem>>) src(%arg6 : memref<136x16xf32, #tpu.memory_space<vmem>>) dst(%dma_wait3A_252 : memref<136x16xf32, #tpu.memory_space<vmem_shared>>)
    %add3A_253 = arith.constant 2448 : i32
    %add3A_254 = arith.addi %mul3A_9, %add3A_253 : i32
    %dma_wait3A_255 = arith.constant 0 : i32
    %dma_wait3A_256 = tpu.memref_slice %arg11[%add3A_254, %dma_wait3A_255] : memref<50048x16xf32, #tpu.memory_space<vmem_shared>> -> memref<136x16xf32, #tpu.memory_space<vmem_shared>>
    %dma_wait3A_257 = arith.constant 0 : i32
    %dma_wait3A_258 = tpu.memref_slice %arg11[%add3A_254, %dma_wait3A_257] : memref<50048x16xf32, #tpu.memory_space<vmem_shared>> -> memref<136x16xf32, #tpu.memory_space<vmem_shared>>
    tpu.wait_dma2 semaphore(%arg9 : memref<!tpu.dma_semaphore, #tpu.memory_space<semaphore_mem>>) src(%arg6 : memref<136x16xf32, #tpu.memory_space<vmem>>) dst(%dma_wait3A_258 : memref<136x16xf32, #tpu.memory_space<vmem_shared>>)
    %add3A_259 = arith.constant 2584 : i32
    %add3A_260 = arith.addi %mul3A_9, %add3A_259 : i32
    %dma_wait3A_261 = arith.constant 0 : i32
    %dma_wait3A_262 = tpu.memref_slice %arg11[%add3A_260, %dma_wait3A_261] : memref<50048x16xf32, #tpu.memory_space<vmem_shared>> -> memref<136x16xf32, #tpu.memory_space<vmem_shared>>
    %dma_wait3A_263 = arith.constant 0 : i32
    %dma_wait3A_264 = tpu.memref_slice %arg11[%add3A_260, %dma_wait3A_263] : memref<50048x16xf32, #tpu.memory_space<vmem_shared>> -> memref<136x16xf32, #tpu.memory_space<vmem_shared>>
    tpu.wait_dma2 semaphore(%arg9 : memref<!tpu.dma_semaphore, #tpu.memory_space<semaphore_mem>>) src(%arg6 : memref<136x16xf32, #tpu.memory_space<vmem>>) dst(%dma_wait3A_264 : memref<136x16xf32, #tpu.memory_space<vmem_shared>>)
    %add3A_265 = arith.constant 2720 : i32
    %add3A_266 = arith.addi %mul3A_9, %add3A_265 : i32
    %dma_wait3A_267 = arith.constant 0 : i32
    %dma_wait3A_268 = tpu.memref_slice %arg11[%add3A_266, %dma_wait3A_267] : memref<50048x16xf32, #tpu.memory_space<vmem_shared>> -> memref<136x16xf32, #tpu.memory_space<vmem_shared>>
    %dma_wait3A_269 = arith.constant 0 : i32
    %dma_wait3A_270 = tpu.memref_slice %arg11[%add3A_266, %dma_wait3A_269] : memref<50048x16xf32, #tpu.memory_space<vmem_shared>> -> memref<136x16xf32, #tpu.memory_space<vmem_shared>>
    tpu.wait_dma2 semaphore(%arg9 : memref<!tpu.dma_semaphore, #tpu.memory_space<semaphore_mem>>) src(%arg6 : memref<136x16xf32, #tpu.memory_space<vmem>>) dst(%dma_wait3A_270 : memref<136x16xf32, #tpu.memory_space<vmem_shared>>)
    %add3A_271 = arith.constant 2856 : i32
    %add3A_272 = arith.addi %mul3A_9, %add3A_271 : i32
    %dma_wait3A_273 = arith.constant 0 : i32
    %dma_wait3A_274 = tpu.memref_slice %arg11[%add3A_272, %dma_wait3A_273] : memref<50048x16xf32, #tpu.memory_space<vmem_shared>> -> memref<136x16xf32, #tpu.memory_space<vmem_shared>>
    %dma_wait3A_275 = arith.constant 0 : i32
    %dma_wait3A_276 = tpu.memref_slice %arg11[%add3A_272, %dma_wait3A_275] : memref<50048x16xf32, #tpu.memory_space<vmem_shared>> -> memref<136x16xf32, #tpu.memory_space<vmem_shared>>
    tpu.wait_dma2 semaphore(%arg9 : memref<!tpu.dma_semaphore, #tpu.memory_space<semaphore_mem>>) src(%arg6 : memref<136x16xf32, #tpu.memory_space<vmem>>) dst(%dma_wait3A_276 : memref<136x16xf32, #tpu.memory_space<vmem_shared>>)
    %add3A_277 = arith.constant 2992 : i32
    %add3A_278 = arith.addi %mul3A_9, %add3A_277 : i32
    %dma_wait3A_279 = arith.constant 0 : i32
    %dma_wait3A_280 = tpu.memref_slice %arg11[%add3A_278, %dma_wait3A_279] : memref<50048x16xf32, #tpu.memory_space<vmem_shared>> -> memref<136x16xf32, #tpu.memory_space<vmem_shared>>
    %dma_wait3A_281 = arith.constant 0 : i32
    %dma_wait3A_282 = tpu.memref_slice %arg11[%add3A_278, %dma_wait3A_281] : memref<50048x16xf32, #tpu.memory_space<vmem_shared>> -> memref<136x16xf32, #tpu.memory_space<vmem_shared>>
    tpu.wait_dma2 semaphore(%arg9 : memref<!tpu.dma_semaphore, #tpu.memory_space<semaphore_mem>>) src(%arg6 : memref<136x16xf32, #tpu.memory_space<vmem>>) dst(%dma_wait3A_282 : memref<136x16xf32, #tpu.memory_space<vmem_shared>>)
    %barrier3A = arith.constant 0 : index
    tpu.barrier barrier_id(%barrier3A)
    %scan3A_283 = arith.constant 0 : i32
    %scan3A_284 = arith.constant 25 : i32
    %scan3A_285 = arith.addi %scan3A_283, %scan3A_284 : i32
    %scan3A_286 = arith.constant 1 : i32
    scf.for %scan3A_303 = %scan3A_283 to %scan3A_285 step %scan3A_286  : i32 {
      %gt3A = arith.constant 0 : i32
      %gt3A_304 = arith.cmpi sgt, %scan3A_303, %gt3A : i32
      %convert_element_type3A = arith.extui %gt3A_304 : i1 to i32
      %cond3A = arith.constant 0 : i32
      %cond3A_305 = arith.cmpi ne, %convert_element_type3A, %cond3A : i32
      scf.if %cond3A_305 {
        %dma_wait3A_384 = arith.constant 0 : i32
        %dma_wait3A_385 = arith.constant 0 : i32
        %dma_wait3A_386 = tpu.memref_slice %arg4[%dma_wait3A_384, %dma_wait3A_385] : memref<2x512xi32, #tpu.memory_space<vmem>> -> memref<1x512xi32, #tpu.memory_space<vmem>>
        %dma_wait3A_387 = tpu.memref_squeeze %dma_wait3A_386 : memref<1x512xi32, #tpu.memory_space<vmem>> -> memref<512xi32, #tpu.memory_space<vmem>>
        %dma_wait3A_388 = arith.constant 0 : i32
        %dma_wait3A_389 = arith.constant 0 : i32
        %dma_wait3A_390 = tpu.memref_slice %arg11[%dma_wait3A_388, %dma_wait3A_389] : memref<50048x16xf32, #tpu.memory_space<vmem_shared>> -> memref<50048x16xf32, #tpu.memory_space<vmem_shared>>
        tpu.wait_indirect_dma semaphore(%arg9 : memref<!tpu.dma_semaphore, #tpu.memory_space<semaphore_mem>>) src(%arg5 : memref<512x16xf32, #tpu.memory_space<vmem>>) dst(%dma_wait3A_390 : memref<50048x16xf32, #tpu.memory_space<vmem_shared>>)
        %dma_wait3A_391 = arith.constant 1 : i32
        %dma_wait3A_392 = arith.constant 0 : i32
        %dma_wait3A_393 = tpu.memref_slice %arg4[%dma_wait3A_391, %dma_wait3A_392] : memref<2x512xi32, #tpu.memory_space<vmem>> -> memref<1x512xi32, #tpu.memory_space<vmem>>
        %dma_wait3A_394 = tpu.memref_squeeze %dma_wait3A_393 : memref<1x512xi32, #tpu.memory_space<vmem>> -> memref<512xi32, #tpu.memory_space<vmem>>
        %dma_wait3A_395 = arith.constant 0 : i32
        %dma_wait3A_396 = arith.constant 0 : i32
        %dma_wait3A_397 = tpu.memref_slice %arg11[%dma_wait3A_395, %dma_wait3A_396] : memref<50048x16xf32, #tpu.memory_space<vmem_shared>> -> memref<50048x16xf32, #tpu.memory_space<vmem_shared>>
        tpu.wait_indirect_dma semaphore(%arg10 : memref<!tpu.dma_semaphore, #tpu.memory_space<semaphore_mem>>) src(%arg5 : memref<512x16xf32, #tpu.memory_space<vmem>>) dst(%dma_wait3A_397 : memref<50048x16xf32, #tpu.memory_space<vmem_shared>>)
      } else {
      }
      %mul3A_306 = arith.constant 16 : i32
      %mul3A_307 = arith.muli %arg0, %mul3A_306 : i32
      %add3A_308 = arith.addi %mul3A_307, %arg1 : i32
      %mul3A_309 = arith.constant 50 : i32
      %mul3A_310 = arith.muli %add3A_308, %mul3A_309 : i32
      %mul3A_311 = arith.constant 2 : i32
      %mul3A_312 = arith.muli %scan3A_303, %mul3A_311 : i32
      %add3A_313 = arith.addi %mul3A_310, %mul3A_312 : i32
      %add3A_314 = arith.constant 0 : i32
      %add3A_315 = arith.addi %add3A_313, %add3A_314 : i32
      %dma_start3A_316 = arith.constant 0 : i32
      %dma_start3A_317 = arith.constant 0 : i32
      %dma_start3A_318 = tpu.memref_slice %arg4[%dma_start3A_316, %dma_start3A_317] : memref<2x512xi32, #tpu.memory_space<vmem>> -> memref<1x512xi32, #tpu.memory_space<vmem>>
      %dma_start3A_319 = tpu.memref_squeeze %dma_start3A_318 : memref<1x512xi32, #tpu.memory_space<vmem>> -> memref<512xi32, #tpu.memory_space<vmem>>
      %dma_start3A_320 = arith.constant 0 : i32
      %dma_start3A_321 = tpu.memref_slice %arg2[%add3A_315, %dma_start3A_320] : memref<1600x512xi32, #tpu.memory_space<hbm>> -> memref<1x512xi32, #tpu.memory_space<hbm>>
      %dma_start3A_322 = tpu.memref_squeeze %dma_start3A_321 : memref<1x512xi32, #tpu.memory_space<hbm>> -> memref<512xi32, #tpu.memory_space<hbm>>
      %dma_start3A_323 = arith.constant 0 : i32
      %dma_start3A_324 = tpu.memref_slice %arg4[%dma_start3A_316, %dma_start3A_323] : memref<2x512xi32, #tpu.memory_space<vmem>> -> memref<1x512xi32, #tpu.memory_space<vmem>>
      %dma_start3A_325 = tpu.memref_squeeze %dma_start3A_324 : memref<1x512xi32, #tpu.memory_space<vmem>> -> memref<512xi32, #tpu.memory_space<vmem>>
      %dma_start3A_326 = arith.constant 0 : i32
      %dma_start3A_327 = tpu.memref_slice %arg2[%add3A_315, %dma_start3A_326] : memref<1600x512xi32, #tpu.memory_space<hbm>> -> memref<1x512xi32, #tpu.memory_space<hbm>>
      %dma_start3A_328 = tpu.memref_squeeze %dma_start3A_327 : memref<1x512xi32, #tpu.memory_space<hbm>> -> memref<512xi32, #tpu.memory_space<hbm>>
      tpu.enqueue_dma source(%dma_start3A_328 : memref<512xi32, #tpu.memory_space<hbm>>) target(%dma_start3A_325 : memref<512xi32, #tpu.memory_space<vmem>>) target_semaphore(%arg7 : memref<!tpu.dma_semaphore, #tpu.memory_space<semaphore_mem>>)
      %add3A_329 = arith.constant 1 : i32
      %add3A_330 = arith.addi %add3A_313, %add3A_329 : i32
      %dma_start3A_331 = arith.constant 1 : i32
      %dma_start3A_332 = arith.constant 0 : i32
      %dma_start3A_333 = tpu.memref_slice %arg4[%dma_start3A_331, %dma_start3A_332] : memref<2x512xi32, #tpu.memory_space<vmem>> -> memref<1x512xi32, #tpu.memory_space<vmem>>
      %dma_start3A_334 = tpu.memref_squeeze %dma_start3A_333 : memref<1x512xi32, #tpu.memory_space<vmem>> -> memref<512xi32, #tpu.memory_space<vmem>>
      %dma_start3A_335 = arith.constant 0 : i32
      %dma_start3A_336 = tpu.memref_slice %arg2[%add3A_330, %dma_start3A_335] : memref<1600x512xi32, #tpu.memory_space<hbm>> -> memref<1x512xi32, #tpu.memory_space<hbm>>
      %dma_start3A_337 = tpu.memref_squeeze %dma_start3A_336 : memref<1x512xi32, #tpu.memory_space<hbm>> -> memref<512xi32, #tpu.memory_space<hbm>>
      %dma_start3A_338 = arith.constant 0 : i32
      %dma_start3A_339 = tpu.memref_slice %arg4[%dma_start3A_331, %dma_start3A_338] : memref<2x512xi32, #tpu.memory_space<vmem>> -> memref<1x512xi32, #tpu.memory_space<vmem>>
      %dma_start3A_340 = tpu.memref_squeeze %dma_start3A_339 : memref<1x512xi32, #tpu.memory_space<vmem>> -> memref<512xi32, #tpu.memory_space<vmem>>
      %dma_start3A_341 = arith.constant 0 : i32
      %dma_start3A_342 = tpu.memref_slice %arg2[%add3A_330, %dma_start3A_341] : memref<1600x512xi32, #tpu.memory_space<hbm>> -> memref<1x512xi32, #tpu.memory_space<hbm>>
      %dma_start3A_343 = tpu.memref_squeeze %dma_start3A_342 : memref<1x512xi32, #tpu.memory_space<hbm>> -> memref<512xi32, #tpu.memory_space<hbm>>
      tpu.enqueue_dma source(%dma_start3A_343 : memref<512xi32, #tpu.memory_space<hbm>>) target(%dma_start3A_340 : memref<512xi32, #tpu.memory_space<vmem>>) target_semaphore(%arg8 : memref<!tpu.dma_semaphore, #tpu.memory_space<semaphore_mem>>)
      %dma_wait3A_344 = arith.constant 0 : i32
      %dma_wait3A_345 = arith.constant 0 : i32
      %dma_wait3A_346 = tpu.memref_slice %arg4[%dma_wait3A_344, %dma_wait3A_345] : memref<2x512xi32, #tpu.memory_space<vmem>> -> memref<1x512xi32, #tpu.memory_space<vmem>>
      %dma_wait3A_347 = tpu.memref_squeeze %dma_wait3A_346 : memref<1x512xi32, #tpu.memory_space<vmem>> -> memref<512xi32, #tpu.memory_space<vmem>>
      %dma_wait3A_348 = arith.constant 0 : i32
      %dma_wait3A_349 = tpu.memref_slice %arg2[%add3A_315, %dma_wait3A_348] : memref<1600x512xi32, #tpu.memory_space<hbm>> -> memref<1x512xi32, #tpu.memory_space<hbm>>
      %dma_wait3A_350 = tpu.memref_squeeze %dma_wait3A_349 : memref<1x512xi32, #tpu.memory_space<hbm>> -> memref<512xi32, #tpu.memory_space<hbm>>
      %dma_wait3A_351 = arith.constant 0 : i32
      %dma_wait3A_352 = tpu.memref_slice %arg4[%dma_wait3A_344, %dma_wait3A_351] : memref<2x512xi32, #tpu.memory_space<vmem>> -> memref<1x512xi32, #tpu.memory_space<vmem>>
      %dma_wait3A_353 = tpu.memref_squeeze %dma_wait3A_352 : memref<1x512xi32, #tpu.memory_space<vmem>> -> memref<512xi32, #tpu.memory_space<vmem>>
      %dma_wait3A_354 = arith.constant 0 : i32
      %dma_wait3A_355 = tpu.memref_slice %arg2[%add3A_315, %dma_wait3A_354] : memref<1600x512xi32, #tpu.memory_space<hbm>> -> memref<1x512xi32, #tpu.memory_space<hbm>>
      %dma_wait3A_356 = tpu.memref_squeeze %dma_wait3A_355 : memref<1x512xi32, #tpu.memory_space<hbm>> -> memref<512xi32, #tpu.memory_space<hbm>>
      tpu.wait_dma2 semaphore(%arg7 : memref<!tpu.dma_semaphore, #tpu.memory_space<semaphore_mem>>) src(%dma_wait3A_356 : memref<512xi32, #tpu.memory_space<hbm>>) dst(%dma_wait3A_353 : memref<512xi32, #tpu.memory_space<vmem>>)
      %dma_start3A_357 = arith.constant 0 : i32
      %dma_start3A_358 = arith.constant 0 : i32
      %dma_start3A_359 = tpu.memref_slice %arg4[%dma_start3A_357, %dma_start3A_358] : memref<2x512xi32, #tpu.memory_space<vmem>> -> memref<1x512xi32, #tpu.memory_space<vmem>>
      %dma_start3A_360 = tpu.memref_squeeze %dma_start3A_359 : memref<1x512xi32, #tpu.memory_space<vmem>> -> memref<512xi32, #tpu.memory_space<vmem>>
      %dma_start3A_361 = arith.constant 0 : i32
      %dma_start3A_362 = arith.constant 0 : i32
      %dma_start3A_363 = tpu.memref_slice %arg11[%dma_start3A_361, %dma_start3A_362] : memref<50048x16xf32, #tpu.memory_space<vmem_shared>> -> memref<50048x16xf32, #tpu.memory_space<vmem_shared>>
      tpu.enqueue_indirect_dma source(%arg5 : memref<512x16xf32, #tpu.memory_space<vmem>>) target(%dma_start3A_363 : memref<50048x16xf32, #tpu.memory_space<vmem_shared>>) offsets(%dma_start3A_360 : memref<512xi32, #tpu.memory_space<vmem>>) semaphore(%arg9 : memref<!tpu.dma_semaphore, #tpu.memory_space<semaphore_mem>>) {add = true}
      %dma_wait3A_364 = arith.constant 1 : i32
      %dma_wait3A_365 = arith.constant 0 : i32
      %dma_wait3A_366 = tpu.memref_slice %arg4[%dma_wait3A_364, %dma_wait3A_365] : memref<2x512xi32, #tpu.memory_space<vmem>> -> memref<1x512xi32, #tpu.memory_space<vmem>>
      %dma_wait3A_367 = tpu.memref_squeeze %dma_wait3A_366 : memref<1x512xi32, #tpu.memory_space<vmem>> -> memref<512xi32, #tpu.memory_space<vmem>>
      %dma_wait3A_368 = arith.constant 0 : i32
      %dma_wait3A_369 = tpu.memref_slice %arg2[%add3A_330, %dma_wait3A_368] : memref<1600x512xi32, #tpu.memory_space<hbm>> -> memref<1x512xi32, #tpu.memory_space<hbm>>
      %dma_wait3A_370 = tpu.memref_squeeze %dma_wait3A_369 : memref<1x512xi32, #tpu.memory_space<hbm>> -> memref<512xi32, #tpu.memory_space<hbm>>
      %dma_wait3A_371 = arith.constant 0 : i32
      %dma_wait3A_372 = tpu.memref_slice %arg4[%dma_wait3A_364, %dma_wait3A_371] : memref<2x512xi32, #tpu.memory_space<vmem>> -> memref<1x512xi32, #tpu.memory_space<vmem>>
      %dma_wait3A_373 = tpu.memref_squeeze %dma_wait3A_372 : memref<1x512xi32, #tpu.memory_space<vmem>> -> memref<512xi32, #tpu.memory_space<vmem>>
      %dma_wait3A_374 = arith.constant 0 : i32
      %dma_wait3A_375 = tpu.memref_slice %arg2[%add3A_330, %dma_wait3A_374] : memref<1600x512xi32, #tpu.memory_space<hbm>> -> memref<1x512xi32, #tpu.memory_space<hbm>>
      %dma_wait3A_376 = tpu.memref_squeeze %dma_wait3A_375 : memref<1x512xi32, #tpu.memory_space<hbm>> -> memref<512xi32, #tpu.memory_space<hbm>>
      tpu.wait_dma2 semaphore(%arg8 : memref<!tpu.dma_semaphore, #tpu.memory_space<semaphore_mem>>) src(%dma_wait3A_376 : memref<512xi32, #tpu.memory_space<hbm>>) dst(%dma_wait3A_373 : memref<512xi32, #tpu.memory_space<vmem>>)
      %dma_start3A_377 = arith.constant 1 : i32
      %dma_start3A_378 = arith.constant 0 : i32
      %dma_start3A_379 = tpu.memref_slice %arg4[%dma_start3A_377, %dma_start3A_378] : memref<2x512xi32, #tpu.memory_space<vmem>> -> memref<1x512xi32, #tpu.memory_space<vmem>>
      %dma_start3A_380 = tpu.memref_squeeze %dma_start3A_379 : memref<1x512xi32, #tpu.memory_space<vmem>> -> memref<512xi32, #tpu.memory_space<vmem>>
      %dma_start3A_381 = arith.constant 0 : i32
      %dma_start3A_382 = arith.constant 0 : i32
      %dma_start3A_383 = tpu.memref_slice %arg11[%dma_start3A_381, %dma_start3A_382] : memref<50048x16xf32, #tpu.memory_space<vmem_shared>> -> memref<50048x16xf32, #tpu.memory_space<vmem_shared>>
      tpu.enqueue_indirect_dma source(%arg5 : memref<512x16xf32, #tpu.memory_space<vmem>>) target(%dma_start3A_383 : memref<50048x16xf32, #tpu.memory_space<vmem_shared>>) offsets(%dma_start3A_380 : memref<512xi32, #tpu.memory_space<vmem>>) semaphore(%arg10 : memref<!tpu.dma_semaphore, #tpu.memory_space<semaphore_mem>>) {add = true}
    }
    %scan3A_287 = arith.constant 25 : i32
    %dma_wait3A_288 = arith.constant 0 : i32
    %dma_wait3A_289 = arith.constant 0 : i32
    %dma_wait3A_290 = tpu.memref_slice %arg4[%dma_wait3A_288, %dma_wait3A_289] : memref<2x512xi32, #tpu.memory_space<vmem>> -> memref<1x512xi32, #tpu.memory_space<vmem>>
    %dma_wait3A_291 = tpu.memref_squeeze %dma_wait3A_290 : memref<1x512xi32, #tpu.memory_space<vmem>> -> memref<512xi32, #tpu.memory_space<vmem>>
    %dma_wait3A_292 = arith.constant 0 : i32
    %dma_wait3A_293 = arith.constant 0 : i32
    %dma_wait3A_294 = tpu.memref_slice %arg11[%dma_wait3A_292, %dma_wait3A_293] : memref<50048x16xf32, #tpu.memory_space<vmem_shared>> -> memref<50048x16xf32, #tpu.memory_space<vmem_shared>>
    tpu.wait_indirect_dma semaphore(%arg9 : memref<!tpu.dma_semaphore, #tpu.memory_space<semaphore_mem>>) src(%arg5 : memref<512x16xf32, #tpu.memory_space<vmem>>) dst(%dma_wait3A_294 : memref<50048x16xf32, #tpu.memory_space<vmem_shared>>)
    %dma_wait3A_295 = arith.constant 1 : i32
    %dma_wait3A_296 = arith.constant 0 : i32
    %dma_wait3A_297 = tpu.memref_slice %arg4[%dma_wait3A_295, %dma_wait3A_296] : memref<2x512xi32, #tpu.memory_space<vmem>> -> memref<1x512xi32, #tpu.memory_space<vmem>>
    %dma_wait3A_298 = tpu.memref_squeeze %dma_wait3A_297 : memref<1x512xi32, #tpu.memory_space<vmem>> -> memref<512xi32, #tpu.memory_space<vmem>>
    %dma_wait3A_299 = arith.constant 0 : i32
    %dma_wait3A_300 = arith.constant 0 : i32
    %dma_wait3A_301 = tpu.memref_slice %arg11[%dma_wait3A_299, %dma_wait3A_300] : memref<50048x16xf32, #tpu.memory_space<vmem_shared>> -> memref<50048x16xf32, #tpu.memory_space<vmem_shared>>
    tpu.wait_indirect_dma semaphore(%arg10 : memref<!tpu.dma_semaphore, #tpu.memory_space<semaphore_mem>>) src(%arg5 : memref<512x16xf32, #tpu.memory_space<vmem>>) dst(%dma_wait3A_301 : memref<50048x16xf32, #tpu.memory_space<vmem_shared>>)
    %barrier3A_302 = arith.constant 0 : index
    tpu.barrier barrier_id(%barrier3A_302)
    "tpu.region"() ({
      %run_scoped3A = tpu.sem_alloc : memref<!tpu.dma_semaphore, #tpu.memory_space<semaphore_mem>>
      %dma_start3A_303 = arith.constant 0 : i32
      %dma_start3A_304 = arith.constant 0 : i32
      %dma_start3A_305 = tpu.memref_slice %arg3[%arg0, %dma_start3A_303, %dma_start3A_304] : memref<2x50048x16xf32, #tpu.memory_space<hbm>> -> memref<1x50048x16xf32, #tpu.memory_space<hbm>>
      %dma_start3A_306 = tpu.memref_squeeze %dma_start3A_305 : memref<1x50048x16xf32, #tpu.memory_space<hbm>> -> memref<50048x16xf32, #tpu.memory_space<hbm>>
      %dma_start3A_307 = arith.constant 0 : i32
      %dma_start3A_308 = tpu.memref_slice %dma_start3A_306[%mul3A_9, %dma_start3A_307] : memref<50048x16xf32, #tpu.memory_space<hbm>> -> memref<3128x16xf32, #tpu.memory_space<hbm>>
      %dma_start3A_309 = arith.constant 0 : i32
      %dma_start3A_310 = tpu.memref_slice %arg11[%mul3A_9, %dma_start3A_309] : memref<50048x16xf32, #tpu.memory_space<vmem_shared>> -> memref<3128x16xf32, #tpu.memory_space<vmem_shared>>
      tpu.enqueue_dma source(%dma_start3A_310 : memref<3128x16xf32, #tpu.memory_space<vmem_shared>>) target(%dma_start3A_308 : memref<3128x16xf32, #tpu.memory_space<hbm>>) target_semaphore(%run_scoped3A : memref<!tpu.dma_semaphore, #tpu.memory_space<semaphore_mem>>)
      %dma_wait3A_311 = arith.constant 0 : i32
      %dma_wait3A_312 = arith.constant 0 : i32
      %dma_wait3A_313 = tpu.memref_slice %arg3[%arg0, %dma_wait3A_311, %dma_wait3A_312] : memref<2x50048x16xf32, #tpu.memory_space<hbm>> -> memref<1x50048x16xf32, #tpu.memory_space<hbm>>
      %dma_wait3A_314 = tpu.memref_squeeze %dma_wait3A_313 : memref<1x50048x16xf32, #tpu.memory_space<hbm>> -> memref<50048x16xf32, #tpu.memory_space<hbm>>
      %dma_wait3A_315 = arith.constant 0 : i32
      %dma_wait3A_316 = tpu.memref_slice %dma_wait3A_314[%mul3A_9, %dma_wait3A_315] : memref<50048x16xf32, #tpu.memory_space<hbm>> -> memref<3128x16xf32, #tpu.memory_space<hbm>>
      %dma_wait3A_317 = arith.constant 0 : i32
      %dma_wait3A_318 = tpu.memref_slice %arg11[%mul3A_9, %dma_wait3A_317] : memref<50048x16xf32, #tpu.memory_space<vmem_shared>> -> memref<3128x16xf32, #tpu.memory_space<vmem_shared>>
      tpu.wait_dma2 semaphore(%run_scoped3A : memref<!tpu.dma_semaphore, #tpu.memory_space<semaphore_mem>>) src(%dma_wait3A_318 : memref<3128x16xf32, #tpu.memory_space<vmem_shared>>) dst(%dma_wait3A_316 : memref<3128x16xf32, #tpu.memory_space<hbm>>)
      tpu.yield
    }) : () -> ()
    return
  }
}

</mosaic_0001>

<sc_bundles>
// kernel: _degrees.3.cloned.1.call-start
scs
__scs_entry_jumppad:
0x0: {  	(pc) =	sbr.rel $0x88, $3  }
0x1: {  	(tag) =	ssettag $0x0;
	lr =	simm.s32 $0x1  }
0x2: {  	[smem:$0x3FA0] =	sst lr;
	_ =	strace $0xD0000000  }
0x3: {  	_ = 	snop  }
0x4: {  	_ = 	snop  }
0x5: {  	_ = 	snop  }
0x6: {  	_ = 	snop  }
0x7: {  	_ = 	snop  }
__scs_overlays_trampoline_lowered:
0x8: {  	[smem:$0x3FAF] =	sst s0  }
0x9: {  	[smem:$0x3FB0] =	sst s1  }
0xa: {  	[smem:$0x3FB1] =	sst s2  }
0xb: {  	[smem:$0x3FB2] =	sst s3  }
0xc: {  	[smem:$0x3FB3] =	sst s4  }
0xd: {  	[smem:$0x3FB4] =	sst s5  }
0xe: {  	[smem:$0x3FB5] =	sst s6  }
0xf: {  	[smem:$0x3FB6] =	sst s7  }
0x10: {  	[smem:$0x3FB7] =	sst s8  }
0x11: {  	[smem:$0x3FB8] =	sst s9;
	s0 =	simm.s32 @!p0 $0x0  }
0x12: {  	s1 =	sld [smem:$0x3F9E];
	s0 =	simm.s32 @p0 $0x1  }
0x13: {  	[smem:$0x3FB9] =	sst s0;
	s0 =	simm.s32 @!p1 $0x0  }
0x14: {  	s2 =	sld [smem:$0x3F9D];
	s0 =	simm.s32 @p1 $0x1  }
0x15: {  	[smem:$0x3FBA] =	sst s0;
	s0 =	simm.s32 @!p2 $0x0  }
0x16: {  	s3 =	sld [smem:$0x3FDB];
	s0 =	simm.s32 @p2 $0x1  }
0x17: {  	s4 =	simm.s32 $0x1BF5;
	[smem:$0x3FBC] =	sst s0  }
0x18: {  	s0 =	sld [smem:$0x3F9F];
	_ =	swait.ge [sflag:s4], $0x0  }
0x19: {  	s7 =	sld [smem:$0x3FA0]  }
0x1a: {  	s8 =	sadd.s32 $0xFFFFE003, lr  }
0x1b: {  	s9 =	sadd.s32 $0xFFFFFEF7, lr;
	s5 =	simm.s32 $0xFFFFFFFF;
	p2 =	slt.u32 s8, $0xFFFFF086  }
0x1c: {  	p1 =	slt.u32 s9, $0xF7A;
	s5 =	simm.s32 @!p2 $0x0  }
0x1d: {  	s5 =	simm.s32 @p1 $0x1;
	p0 =	seq.s32 s7, s2  }
0x1e: {  	s7 =	smul.u32 @!p0 $0xF7A, s2;
	p2 =	seq.s32 @!p0 s5, $0x0  }
0x1f: {  	s9 =	smul.u32 $0xF7A, s1;
	s8 =	simm.s32 @!p0 $0x1BF5;
	p2 =	por !p2, p0  }
0x20: {  	[sflag:s8] =	ssyncset.s32 @!p0 $0xFFFFF086;
	s6 =	sadd.s32 @!p0 s3, s7;
	s7 =	simm.s32 @!p0 $0x108  }
0x21: {  	s3 =	sadd.s32 s3, s9;
	s6 =	sadd.s32 @!p0 $0x88, s6;
	s7 =	simm.s32 @p2 $0x1082  }
0x22: {  	[simem:s7], [sflag:s8] =	dma.local @!p0 [hbm:s6], $0xF7A  }
0x23: {  	s9 =	sor.u32 $0xD0000000, s2;
	s6 =	simm.s32 $0x108;
	_ =	swait.ge @!p0 [sflag:s8], $0x0  }
0x24: {  	s3 =	sadd.s32 $0x88, s3;
	s6 =	simm.s32 @!p1 $0x1082;
	[sflag:s4] =	ssyncset.s32 $0xFFFFF086  }
0x25: {  	[simem:s6], [sflag:s4] =	dma.local [hbm:s3], $0xF7A  }
0x26: {  	[smem:$0x3FA0] =	sst s1;
	(tag) =	ssettag s2;
	_ =	strace s9  }
0x27: {  	s1 =	sld [smem:$0x3FB0]  }
0x28: {  	s2 =	sld [smem:$0x3FB1]  }
0x29: {  	s4 =	sld [smem:$0x3FB3]  }
0x2a: {  	p0 =	seq.s32 s5, $0x0;
	s5 =	sld [smem:$0x3FB4]  }
0x2b: {  	s6 =	sld [smem:$0x3FB5]  }
0x2c: {  	s7 =	sld [smem:$0x3FB6]  }
0x2d: {  	s3 =	simm.s32 $0x108;
	s8 =	sld [smem:$0x3FB7]  }
0x2e: {  	s3 =	simm.s32 @!p0 $0x1082;
	s9 =	sld [smem:$0x3FB8]  }
0x2f: {  	lr =	sadd.s32 s0, s3;
	s0 =	sld [smem:$0x3FAF]  }
0x30: {  	s3 =	sld [smem:$0x3FB2]  }
0x31: {  	[smem:$0x3FBB] =	sst s10  }
0x32: {  	s10 =	sld [smem:$0x3FB9];
	_ =	sdelay $0x3  }
0x33: {  	p0 =	seq.s32 s10, $0x1;
	s10 =	sld [smem:$0x3FBB];
	_ =	sdelay $0x3  }
0x34: {  	[smem:$0x3FBB] =	sst s10  }
0x35: {  	s10 =	sld [smem:$0x3FBA];
	_ =	sdelay $0x3  }
0x36: {  	p1 =	seq.s32 s10, $0x1;
	s10 =	sld [smem:$0x3FBB];
	_ =	sdelay $0x3  }
0x37: {  	[smem:$0x3FBB] =	sst s10  }
0x38: {  	s10 =	sld [smem:$0x3FBC]  }
0x39: {  	_ = 	snop;
	(pc) =	sbr.ind lr, $3  }
0x3a: {  	_ = 	snop  }
0x3b: {  	_ = 	snop  }
0x3c: {  	p2 =	seq.s32 s10, $0x1;
	s10 =	sld [smem:$0x3FBB]  }
0x3d: {  	_ =	shalt  }
0x3e: {  	_ =	shalt  }
0x3f: {  	_ =	shalt  }
0x40: {  	_ =	shalt  }
0x41: {  	_ =	shalt  }
0x42: {  	_ =	shalt  }
0x43: {  	_ =	shalt  }
0x44: {  	_ =	shalt  }
0x45: {  	_ =	shalt  }
0x46: {  	_ =	shalt  }
0x47: {  	_ =	shalt  }
0x48: {  	_ =	shalt  }
0x49: {  	_ =	shalt  }
0x4a: {  	_ =	shalt  }
0x4b: {  	_ =	shalt  }
0x4c: {  	_ =	shalt  }
0x4d: {  	_ =	shalt  }
0x4e: {  	_ =	shalt  }
0x4f: {  	_ =	shalt  }
0x50: {  	_ =	shalt  }
0x51: {  	_ =	shalt  }
0x52: {  	_ =	shalt  }
0x53: {  	_ =	shalt  }
0x54: {  	_ =	shalt  }
0x55: {  	_ =	shalt  }
0x56: {  	_ =	shalt  }
0x57: {  	_ =	shalt  }
0x58: {  	_ =	shalt  }
0x59: {  	_ =	shalt  }
0x5a: {  	_ =	shalt  }
0x5b: {  	_ =	shalt  }
0x5c: {  	_ =	shalt  }
0x5d: {  	_ =	shalt  }
0x5e: {  	_ =	shalt  }
0x5f: {  	_ =	shalt  }
0x60: {  	_ =	shalt  }
0x61: {  	_ =	shalt  }
0x62: {  	_ =	shalt  }
0x63: {  	_ =	shalt  }
0x64: {  	_ =	shalt  }
0x65: {  	_ =	shalt  }
0x66: {  	_ =	shalt  }
0x67: {  	_ =	shalt  }
0x68: {  	_ =	shalt  }
0x69: {  	_ =	shalt  }
0x6a: {  	_ =	shalt  }
0x6b: {  	_ =	shalt  }
0x6c: {  	_ =	shalt  }
0x6d: {  	_ =	shalt  }
0x6e: {  	_ =	shalt  }
0x6f: {  	_ =	shalt  }
0x70: {  	_ =	shalt  }
0x71: {  	_ =	shalt  }
0x72: {  	_ =	shalt  }
0x73: {  	_ =	shalt  }
0x74: {  	_ =	shalt  }
0x75: {  	_ =	shalt  }
0x76: {  	_ =	shalt  }
0x77: {  	_ =	shalt  }
0x78: {  	_ =	shalt  }
0x79: {  	_ =	shalt  }
0x7a: {  	_ =	shalt  }
0x7b: {  	_ =	shalt  }
0x7c: {  	_ =	shalt  }
0x7d: {  	_ =	shalt  }
0x7e: {  	_ =	shalt  }
0x7f: {  	_ =	shalt  }
0x80: {  	_ =	shalt  }
0x81: {  	_ =	shalt  }
0x82: {  	_ =	shalt  }
0x83: {  	_ =	shalt  }
0x84: {  	_ =	shalt  }
0x85: {  	_ =	shalt  }
0x86: {  	_ =	shalt  }
0x87: {  	_ =	shalt  }
.Lfunc_end0:
.L_simem_size_0:
called_computation_lowered:
.L_overlay_start_0:
0x88: {  	s2 =	sld [smem:$0x3FD9]  }
0x89: {  	s3 =	sld [smem:$0x3FFE];
	_ =	sdelay $0x1  }
0x8a: {  	s1 =	srdreg.scid  }
0x8b: {  	s0 =	sand.u32 $0x1, s1  }
0x8c: {  	s17 =	sshll.u32 s0, $0xA;
	s2 =	sadd.s32 s3, s2  }
0x8d: {  	s2 =	sadd.s32 s2, s17  }
0x8e: {  	[smem:$0x3FC7] =	sst s2  }
0x8f: {  	_ = 	snop  }
0x90: {  	s2 =	sld [smem:$0x3FD0];
	(tm) =	ssettm $0x1  }
0x91: {  	s18 =	sld [smem:$0x3FFB];
	_ =	sdelay $0x3  }
0x92: {  	_ =	strace s18  }
0x93: {  	s3 =	sld [smem:$0x3FFC];
	_ =	sdelay $0x3  }
0x94: {  	_ =	strace s3  }
0x95: {  	s3 =	sld [smem:$0x3FFD];
	_ =	sdelay $0x3  }
0x96: {  	_ =	strace s3  }
0x97: {  	_ =	strace $0x8FFFFFFF  }
0x98: {  	s19 =	sld [smem:$0x3FDB];
	_ =	sdelay $0x1  }
0x99: {  	s4 =	simm.s32 $_scs_section_size  }
0x9a: {  	s5 =	simm.s32 $_size__tile_overlayer_lowered;
	s6 =	simm.s32 $_tile_overlayer_lowered  }
0x9b: {  	s22 =	simm.s32 $0x1BFF;
	s21 =	sshll.u32 s6, $0x1;
	s3 =	sadd.s32 s4, s19  }
0x9c: {  	s7 =	simm.s32 $0x0;
	s20 =	sshll.u32 s5, $0x1;
	s5 =	sadd.s32 s21, s3  }
0x9d: {  	[timem:s7], [sflag:s22] =	dma.local [hbm:s5], s20  }
0x9e: {  	_ =	swait.ge [sflag:s22], s20  }
0x9f: {  	s4 =	ssub.s32 $0x0, s20;
	[sflag:s22] =	ssyncset.done $0x0  }
0xa0: {  	[sflag:s22] =	ssyncadd.s32 s4;
	_ =	sdelay $0x1  }
0xa1: {  	s23 =	simm.s32 $0x1B8B  }
0xa2: {  	_ =	swait.ge [sflag:s23], $0x1  }
0xa3: {  	[sflag:s23] =	ssyncset.done $0x0  }
0xa4: {  	s25 =	simm.s32 $0x1B8E;
	s24 =	sld [smem:$0x3FFE];
	[sflag:s23] =	ssyncadd.s32 $0xFFFFFFFF  }
0xa5: {  	s26 =	simm.s32 $execute0_lowered;
	[smem:$0x3FD2] =	sst s25  }
0xa6: {  	s5 =	sshll.u32 s26, $0x1;
	_ =	strace $0x80000046;
	[dreg:$0x1] =	wrdreg $0xFFFFFFFF  }
0xa7: {  	s28 =	simm.s32 $_size_execute0_lowered;
	s3 =	sadd.s32 s3, s5;
	[dreg:$0x0] =	wrdreg $0x0  }
0xa8: {  	s5 =	sshll.u32 s28, $0x1;
	[dreg:$0x2] =	wrdreg s3  }
0xa9: {  	[dreg:$0x3] =	wrdreg s5  }
0xaa: {  	[dreg:$0x4] =	wrdreg $0xC0  }
0xab: {  	_ =	task [dreg:s7], $0x5FFFF  }
0xac: {  	[dreg:$0x1] =	wrdreg $0xFFFFFFFF  }
0xad: {  	[dreg:$0x0] =	wrdreg $0x60  }
0xae: {  	[dreg:$0x2] =	wrdreg s24  }
0xaf: {  	[dreg:$0x3] =	wrdreg s2  }
0xb0: {  	[dreg:$0x4] =	wrdreg $0x2C800  }
0xb1: {  	[dreg:$0x5] =	wrdreg $0x9  }
0xb2: {  	_ =	task.clear_ibuf [dreg:s7], $0x6FFFF;
	_ =	strace $0x90000046  }
0xb3: {  	s29 =	simm.s32 $0x9;
	_ =	strace $0x80000048  }
0xb4: {  	_ =	swait.ge [sflag:s29], $0x1  }
0xb5: {  	[sflag:s29] =	ssyncadd.s32 $0xFFFFFFFF  }
0xb6: {  	_ =	strace $0x90000048  }
0xb7: {  	_ =	sfence  }
0xb8: {  	s30 =	sld [smem:$0x0];
	_ =	sdelay $0x2  }
0xb9: {  	s31 =	sshll.u32 s1, $0xD;
	s1 =	sshrl.u32 s1, $0x2  }
0xba: {  	s3 =	sand.u32 $0x4000, s31;
	s1 =	sadd.s32 s1, s30  }
0xbb: {  	s0 =	sor.u32 s3, s0;
	s1 =	sshll.u32 s1, $0x11  }
0xbc: {  	s0 =	sor.u32 s1, s0  }
0xbd: {  	s0 =	sadd.s32 $0x8F2B, s0  }
0xbe: {  	[sflag:s0] =	ssyncadd.remote.s32 $0x1  }
0xbf: {  	_ =	sfence.sel $0xFFFF  }
0xc0: {  	[dreg:$0x0] =	wrdreg $0xFFFFFFFF;
	(pc) =	sbr.abs _section_cstart, $3  }
0xc1: {  	[dreg:$0x1] =	wrdreg $0xFFFFFFFF  }
0xc2: {  	_ =	task.clear_ibuf [dreg:s7], $0x2FFFF;
	_ =	strace $0x9FFFFFFF  }
0xc3: {  	(tm) =	ssettm $0x7FFFFFFF  }
tec
execute0_lowered:
.L_overlay_start_1:
0x0: {  	(tag) =	ssettag $0x1  }
0x1: {  	s0 =	rddreg [dreg:$0x0]  }
0x2: {  	s1 =	rddreg [dreg:$0x1]  }
0x3: {  	s2 =	rddreg [dreg:$0x2]  }
0x4: {  	s3 =	simm.s32 $0x0;
	s4 =	srdreg.scid;
	s11 =	stileid.u32  }
0x5: {  	[smem:$0x7FF] =	sst s3;
	s12 =	smul.u32 $0x30E00, s11  }
0x6: {  	s5 =	sand.u32 $0x1, s4;
	s7 =	smul.u32 $0xC380, s11;
	s0 =	sadd.s32 $0x400, s0  }
0x7: {  	s25 =	smul.u32 $0xC80, s11;
	_ =	strace $0x80000047;
	s6 =	ssub.s32 $0x2, s5  }
0x8: {  	s18 =	sshll.u32 s5, $0x4;
	s24 =	smul.u32 $0x18700, s5;
	s9 =	sshrl.u32 s12, $0x2  }
0x9: {  	s5 =	smul.u32 $0xC800, s5;
	s8 =	sshrl.u32 s6, $0x1;
	s13 =	sadd.s32 s9, s2  }
0xa: {  	s4 =	sadd.s32 s7, s2;
	s26 =	sshrl.u32 s7, $0x3;
	s9 =	sadd.s32 $0x880, s13  }
0xb: {  	s7 =	simm.s32 $0x1;
	s14 =	sadd.s32 $0x1100, s13;
	[dreg:$0x4] =	wrdreg s9  }
0xc: {  	s12 =	simm.s32 $0x0;
	s15 =	sadd.s32 $0x1980, s13;
	[dreg:$0x5] =	wrdreg s14  }
0xd: {  	s6 =	ssub.s32 s6, s8;
	s16 =	sadd.s32 $0x2200, s13;
	[dreg:$0x6] =	wrdreg s15  }
0xe: {  	s1 =	sadd.s32 s1, s24;
	s17 =	sadd.s32 $0x2A80, s13;
	[dreg:$0x7] =	wrdreg s16  }
0xf: {  	s8 =	simm.s32 $0x400;
	s10 =	sadd.s32 $0x3300, s13;
	[dreg:$0x8] =	wrdreg s17  }
0x10: {  	s19 =	sadd.s32 $0x3B80, s13;
	s20 =	sadd.s32 $0x4400, s13;
	[dreg:$0x9] =	wrdreg s10  }
0x11: {  	s21 =	sadd.s32 $0x4C80, s13;
	s22 =	sadd.s32 $0x5500, s13;
	[dreg:$0xa] =	wrdreg s19  }
0x12: {  	s23 =	sadd.s32 $0x5D80, s13;
	s24 =	sadd.s32 $0x9080, s13;
	[dreg:$0xb] =	wrdreg s20  }
0x13: {  	s28 =	sadd.s32 $0xAA00, s13;
	s29 =	sadd.s32 $0xB280, s13;
	[dreg:$0xc] =	wrdreg s21  }
0x14: {  	s30 =	sadd.s32 $0xBB00, s13;
	s31 =	smax.u32 s6, $0x1;
	[dreg:$0xd] =	wrdreg s22  }
0x15: {  	s6 =	simm.s32 $0x200;
	s9 =	sor.u32 s11, s18;
	[dreg:$0xe] =	wrdreg s23  }
0x16: {  	s16 =	sadd.s32 $0x6600, s13;
	s17 =	sadd.s32 $0x6E80, s13;
	s19 =	sadd.s32 $0x7700, s13  }
0x17: {  	s21 =	sadd.s32 $0x7F80, s13;
	s22 =	sadd.s32 s26, s1;
	s9 =	smul.u32 $0xC80, s9  }
0x18: {  	s23 =	sadd.s32 $0x8800, s13;
	s26 =	sadd.s32 $0xA180, s13;
	s1 =	simm.s32 $0x2400  }
0x19: {  	s10 =	simm.s32 $0x4;
	s11 =	simm.s32 $0x5;
	s18 =	sadd.s32 s0, s9  }
0x1a: {  	s0 =	sadd.s32 s5, s0;
	s5 =	simm.s32 $0x3;
	s9 =	simm.s32 $0x2  }
0x1b: {  	v0 =	vimm.f32 $1.000000000e+00;
	v1 =	vimm.f32 $0.0e+00;
	s20 =	sadd.s32 s25, s0;
	s25 =	sadd.s32 $0x9900, s13;
	s0 =	sadd.s32 $0x40, s18  }
.LBB2_1:
0x1c: {  	s13 =	simm.s32 $0x0  }
.LBB2_2:
0x1d: {  	p0 =	sne.s32 s13, $0x7FC0  }
.Ltmp0:
0x1e: {  	_ = 	snop;
	(pc) =	sbr.rel @p0 .LBB2_2-.Ltmp0, $3  }
0x1f: {  	_ =	sdelay $0x1  }
0x20: {  	s14 =	sshra.s32 s13, $0x2  }
0x21: {  	s13 =	sadd.s32 $0x40, s13;
	[tilespmem:s14+$0x400] =	vst v0  }
0x22: {  	s13 =	simm.s32 $0x40;
	s14 =	simm.s32 $0x0  }
.LBB2_4:
0x23: {  	p0 =	sne.s32 s13, $0x21C0;
	[tilespmem:s14+$0x2400] =	vst v1;
	s14 =	smov.u32 s13;
	s13 =	sadd.s32 $0x40, s13  }
.Ltmp1:
0x24: {  	(pc) =	sbr.rel @p0 .LBB2_4-.Ltmp1, $2  }
0x25: {  	_ =	sdelay $0x2  }
0x26: {  	s14 =	sshra.s32 s14, $0x2  }
0x27: {  	[tilespmem:s14+$0x2400] =	vst v1  }
0x28: {  	[spmem:s4] =	stream.linear.scatter [tilespmem:s1], [sflag:$0x3], $0x880, $0x38;
	[tilespmem:$0xF000] =	vst v63  }
0x29: {  	s13 =	rddreg [dreg:$0x4]  }
0x2a: {  	[spmem:s13] =	stream.linear.scatter [tilespmem:s1], [sflag:$0x3], $0x880, $0x38;
	[tilespmem:$0xF000] =	vst v63  }
0x2b: {  	s15 =	rddreg [dreg:$0x5]  }
0x2c: {  	[spmem:s15] =	stream.linear.scatter [tilespmem:s1], [sflag:$0x3], $0x880, $0x38;
	[tilespmem:$0xF000] =	vst v63  }
0x2d: {  	s14 =	rddreg [dreg:$0x6]  }
0x2e: {  	[spmem:s14] =	stream.linear.scatter [tilespmem:s1], [sflag:$0x3], $0x880, $0x38;
	[tilespmem:$0xF000] =	vst v63  }
0x2f: {  	s15 =	rddreg [dreg:$0x7]  }
0x30: {  	[spmem:s15] =	stream.linear.scatter [tilespmem:s1], [sflag:$0x3], $0x880, $0x38;
	[tilespmem:$0xF000] =	vst v63  }
0x31: {  	s14 =	rddreg [dreg:$0x8]  }
0x32: {  	[spmem:s14] =	stream.linear.scatter [tilespmem:s1], [sflag:$0x3], $0x880, $0x38;
	[tilespmem:$0xF000] =	vst v63  }
0x33: {  	s15 =	rddreg [dreg:$0x9]  }
0x34: {  	[spmem:s15] =	stream.linear.scatter [tilespmem:s1], [sflag:$0x3], $0x880, $0x38;
	[tilespmem:$0xF000] =	vst v63  }
0x35: {  	s14 =	rddreg [dreg:$0xa]  }
0x36: {  	[spmem:s14] =	stream.linear.scatter [tilespmem:s1], [sflag:$0x3], $0x880, $0x38;
	[tilespmem:$0xF000] =	vst v63  }
0x37: {  	s15 =	rddreg [dreg:$0xb]  }
0x38: {  	[spmem:s15] =	stream.linear.scatter [tilespmem:s1], [sflag:$0x3], $0x880, $0x38;
	[tilespmem:$0xF000] =	vst v63  }
0x39: {  	s14 =	rddreg [dreg:$0xc]  }
0x3a: {  	[spmem:s14] =	stream.linear.scatter [tilespmem:s1], [sflag:$0x3], $0x880, $0x38;
	[tilespmem:$0xF000] =	vst v63  }
0x3b: {  	s15 =	rddreg [dreg:$0xd]  }
0x3c: {  	[spmem:s15] =	stream.linear.scatter [tilespmem:s1], [sflag:$0x3], $0x880, $0x38;
	[tilespmem:$0xF000] =	vst v63  }
0x3d: {  	s14 =	rddreg [dreg:$0xe]  }
0x3e: {  	[spmem:s14] =	stream.linear.scatter [tilespmem:s1], [sflag:$0x3], $0x880, $0x38;
	[tilespmem:$0xF000] =	vst v63  }
0x3f: {  	_ = 	snop  }
0x40: {  	[spmem:s16] =	stream.linear.scatter [tilespmem:s1], [sflag:$0x3], $0x880, $0x38;
	[tilespmem:$0xF000] =	vst v63  }
0x41: {  	_ = 	snop  }
0x42: {  	[spmem:s17] =	stream.linear.scatter [tilespmem:s1], [sflag:$0x3], $0x880, $0x38;
	[tilespmem:$0xF000] =	vst v63  }
0x43: {  	_ = 	snop  }
0x44: {  	[spmem:s19] =	stream.linear.scatter [tilespmem:s1], [sflag:$0x3], $0x880, $0x38;
	[tilespmem:$0xF000] =	vst v63  }
0x45: {  	_ = 	snop  }
0x46: {  	[spmem:s21] =	stream.linear.scatter [tilespmem:s1], [sflag:$0x3], $0x880, $0x38;
	[tilespmem:$0xF000] =	vst v63  }
0x47: {  	_ = 	snop  }
0x48: {  	[spmem:s23] =	stream.linear.scatter [tilespmem:s1], [sflag:$0x3], $0x880, $0x38;
	[tilespmem:$0xF000] =	vst v63  }
0x49: {  	_ = 	snop  }
0x4a: {  	[spmem:s24] =	stream.linear.scatter [tilespmem:s1], [sflag:$0x3], $0x880, $0x38;
	[tilespmem:$0xF000] =	vst v63  }
0x4b: {  	_ = 	snop  }
0x4c: {  	[spmem:s25] =	stream.linear.scatter [tilespmem:s1], [sflag:$0x3], $0x880, $0x38;
	[tilespmem:$0xF000] =	vst v63  }
0x4d: {  	_ = 	snop  }
0x4e: {  	[spmem:s26] =	stream.linear.scatter [tilespmem:s1], [sflag:$0x3], $0x880, $0x38;
	[tilespmem:$0xF000] =	vst v63  }
0x4f: {  	_ = 	snop  }
0x50: {  	[spmem:s28] =	stream.linear.scatter [tilespmem:s1], [sflag:$0x3], $0x880, $0x38;
	[tilespmem:$0xF000] =	vst v63  }
0x51: {  	_ = 	snop  }
0x52: {  	[spmem:s29] =	stream.linear.scatter [tilespmem:s1], [sflag:$0x3], $0x880, $0x38;
	[tilespmem:$0xF000] =	vst v63  }
0x53: {  	_ = 	snop  }
0x54: {  	[spmem:s30] =	stream.linear.scatter [tilespmem:s1], [sflag:$0x3], $0x880, $0x38;
	[tilespmem:$0xF000] =	vst v63  }
0x55: {  	_ =	swait.ge [sflag:s5], $0x880  }
0x56: {  	[sflag:s5] =	ssyncset.done $0x0  }
0x57: {  	[sflag:s5] =	ssyncadd.s32 $0xFFFFF780  }
0x58: {  	_ =	swait.ge [sflag:s5], $0x880  }
0x59: {  	[sflag:s5] =	ssyncset.done $0x0  }
0x5a: {  	[sflag:s5] =	ssyncadd.s32 $0xFFFFF780  }
0x5b: {  	_ =	swait.ge [sflag:s5], $0x880  }
0x5c: {  	[sflag:s5] =	ssyncset.done $0x0  }
0x5d: {  	[sflag:s5] =	ssyncadd.s32 $0xFFFFF780  }
0x5e: {  	_ =	swait.ge [sflag:s5], $0x880  }
0x5f: {  	[sflag:s5] =	ssyncset.done $0x0  }
0x60: {  	[sflag:s5] =	ssyncadd.s32 $0xFFFFF780  }
0x61: {  	_ =	swait.ge [sflag:s5], $0x880  }
0x62: {  	[sflag:s5] =	ssyncset.done $0x0  }
0x63: {  	[sflag:s5] =	ssyncadd.s32 $0xFFFFF780  }
0x64: {  	_ =	swait.ge [sflag:s5], $0x880  }
0x65: {  	[sflag:s5] =	ssyncset.done $0x0  }
0x66: {  	[sflag:s5] =	ssyncadd.s32 $0xFFFFF780  }
0x67: {  	_ =	swait.ge [sflag:s5], $0x880  }
0x68: {  	[sflag:s5] =	ssyncset.done $0x0  }
0x69: {  	[sflag:s5] =	ssyncadd.s32 $0xFFFFF780  }
0x6a: {  	_ =	swait.ge [sflag:s5], $0x880  }
0x6b: {  	[sflag:s5] =	ssyncset.done $0x0  }
0x6c: {  	[sflag:s5] =	ssyncadd.s32 $0xFFFFF780  }
0x6d: {  	_ =	swait.ge [sflag:s5], $0x880  }
0x6e: {  	[sflag:s5] =	ssyncset.done $0x0  }
0x6f: {  	[sflag:s5] =	ssyncadd.s32 $0xFFFFF780  }
0x70: {  	_ =	swait.ge [sflag:s5], $0x880  }
0x71: {  	[sflag:s5] =	ssyncset.done $0x0  }
0x72: {  	[sflag:s5] =	ssyncadd.s32 $0xFFFFF780  }
0x73: {  	_ =	swait.ge [sflag:s5], $0x880  }
0x74: {  	[sflag:s5] =	ssyncset.done $0x0  }
0x75: {  	[sflag:s5] =	ssyncadd.s32 $0xFFFFF780  }
0x76: {  	_ =	swait.ge [sflag:s5], $0x880  }
0x77: {  	[sflag:s5] =	ssyncset.done $0x0  }
0x78: {  	[sflag:s5] =	ssyncadd.s32 $0xFFFFF780  }
0x79: {  	_ =	swait.ge [sflag:s5], $0x880  }
0x7a: {  	[sflag:s5] =	ssyncset.done $0x0  }
0x7b: {  	[sflag:s5] =	ssyncadd.s32 $0xFFFFF780  }
0x7c: {  	_ =	swait.ge [sflag:s5], $0x880  }
0x7d: {  	[sflag:s5] =	ssyncset.done $0x0  }
0x7e: {  	[sflag:s5] =	ssyncadd.s32 $0xFFFFF780  }
0x7f: {  	_ =	swait.ge [sflag:s5], $0x880  }
0x80: {  	[sflag:s5] =	ssyncset.done $0x0  }
0x81: {  	[sflag:s5] =	ssyncadd.s32 $0xFFFFF780  }
0x82: {  	_ =	swait.ge [sflag:s5], $0x880  }
0x83: {  	[sflag:s5] =	ssyncset.done $0x0  }
0x84: {  	[sflag:s5] =	ssyncadd.s32 $0xFFFFF780  }
0x85: {  	_ =	swait.ge [sflag:s5], $0x880  }
0x86: {  	[sflag:s5] =	ssyncset.done $0x0  }
0x87: {  	[sflag:s5] =	ssyncadd.s32 $0xFFFFF780  }
0x88: {  	_ =	swait.ge [sflag:s5], $0x880  }
0x89: {  	[sflag:s5] =	ssyncset.done $0x0  }
0x8a: {  	[sflag:s5] =	ssyncadd.s32 $0xFFFFF780  }
0x8b: {  	_ =	swait.ge [sflag:s5], $0x880  }
0x8c: {  	[sflag:s5] =	ssyncset.done $0x0  }
0x8d: {  	[sflag:s5] =	ssyncadd.s32 $0xFFFFF780  }
0x8e: {  	_ =	swait.ge [sflag:s5], $0x880  }
0x8f: {  	[sflag:s5] =	ssyncset.done $0x0  }
0x90: {  	[sflag:s5] =	ssyncadd.s32 $0xFFFFF780  }
0x91: {  	_ =	swait.ge [sflag:s5], $0x880  }
0x92: {  	[sflag:s5] =	ssyncset.done $0x0  }
0x93: {  	[sflag:s5] =	ssyncadd.s32 $0xFFFFF780  }
0x94: {  	_ =	swait.ge [sflag:s5], $0x880  }
0x95: {  	[sflag:s5] =	ssyncset.done $0x0  }
0x96: {  	[sflag:s5] =	ssyncadd.s32 $0xFFFFF780  }
0x97: {  	_ =	swait.ge [sflag:s5], $0x880  }
0x98: {  	[sflag:s5] =	ssyncset.done $0x0  }
0x99: {  	[sflag:s5] =	ssyncadd.s32 $0xFFFFF780  }
0x9a: {  	[bflag:$0x0] =	sbarrier.arrive $0xFFFF  }
0x9b: {  	[tilespmem:s3], [sflag:$0x1] =	stream.linear.gather [hbm4b:s18+s3], $0x200, $0x38;
	[tilespmem:$0xF000] =	vst v63  }
0x9c: {  	_ = 	snop  }
0x9d: {  	[tilespmem:s6], [sflag:$0x2] =	stream.linear.gather [hbm4b:s0+s3], $0x200, $0x38;
	[tilespmem:$0xF000] =	vst v63  }
0x9e: {  	_ =	swait.ge [sflag:s7], $0x200  }
0x9f: {  	[sflag:s7] =	ssyncset.done $0x0  }
0xa0: {  	[sflag:s7] =	ssyncadd.s32 $0xFFFFFE00  }
0xa1: {  	[spmem:s2] =	stream.indirect.scatter.add.f32 [tilespmem:s8], [sflag:$0x3], $0x10, s3, s6, $0xb8;
	[tilespmem:$0xF000] =	vst v63  }
0xa2: {  	_ =	swait.ge [sflag:s9], $0x200  }
0xa3: {  	[sflag:s9] =	ssyncset.done $0x0  }
0xa4: {  	[sflag:s9] =	ssyncadd.s32 $0xFFFFFE00  }
0xa5: {  	[spmem:s2] =	stream.indirect.scatter.add.f32 [tilespmem:s8], [sflag:$0x4], $0x10, s6, s6, $0xb8;
	[tilespmem:$0xF000] =	vst v63  }
0xa6: {  	_ =	swait.ge [sflag:s5], $0x2000  }
0xa7: {  	[sflag:s5] =	ssyncset.done $0x0  }
0xa8: {  	[sflag:s5] =	ssyncadd.s32 $0xFFFFE000  }
0xa9: {  	_ =	swait.ge [sflag:s10], $0x2000  }
0xaa: {  	s13 =	sadd.s32 $0xFFFFF400, s20;
	[sflag:s10] =	ssyncset.done $0x0  }
0xab: {  	s15 =	sadd.s32 $0xC80, s13;
	[sflag:s10] =	ssyncadd.s32 $0xFFFFE000  }
0xac: {  	[tilespmem:s3], [sflag:$0x1] =	stream.linear.gather [hbm4b:s15+s3], $0x200, $0x38;
	[tilespmem:$0xF000] =	vst v63  }
0xad: {  	s13 =	sadd.s32 $0xCC0, s13  }
0xae: {  	[tilespmem:s6], [sflag:$0x2] =	stream.linear.gather [hbm4b:s13+s3], $0x200, $0x38;
	[tilespmem:$0xF000] =	vst v63  }
0xaf: {  	_ =	swait.ge [sflag:s7], $0x200  }
0xb0: {  	[sflag:s7] =	ssyncset.done $0x0  }
0xb1: {  	[sflag:s7] =	ssyncadd.s32 $0xFFFFFE00  }
0xb2: {  	[spmem:s2] =	stream.indirect.scatter.add.f32 [tilespmem:s8], [sflag:$0x3], $0x10, s3, s6, $0xb8;
	[tilespmem:$0xF000] =	vst v63  }
0xb3: {  	_ =	swait.ge [sflag:s9], $0x200  }
0xb4: {  	[sflag:s9] =	ssyncset.done $0x0  }
0xb5: {  	s13 =	simm.s32 $0xFFFFF480;
	[sflag:s9] =	ssyncadd.s32 $0xFFFFFE00  }
.LBB2_6:
0xb6: {  	[spmem:s2] =	stream.indirect.scatter.add.f32 [tilespmem:s8], [sflag:$0x4], $0x10, s6, s6, $0xb8;
	[tilespmem:$0xF000] =	vst v63  }
0xb7: {  	s14 =	smov.u32 s13  }
0xb8: {  	p0 =	sne.s32 s13, $0xFFFFFF80;
	s13 =	sadd.s32 $0x80, s13;
	_ =	swait.ge [sflag:s5], $0x2000  }
0xb9: {  	[sflag:s5] =	ssyncset.done $0x0  }
0xba: {  	[sflag:s5] =	ssyncadd.s32 $0xFFFFE000  }
0xbb: {  	_ =	swait.ge [sflag:s10], $0x2000  }
0xbc: {  	s14 =	sadd.s32 s14, s20;
	[sflag:s10] =	ssyncset.done $0x0  }
0xbd: {  	s15 =	sadd.s32 $0xC80, s14;
	[sflag:s10] =	ssyncadd.s32 $0xFFFFE000  }
0xbe: {  	[tilespmem:s3], [sflag:$0x1] =	stream.linear.gather [hbm4b:s15+s3], $0x200, $0x38;
	[tilespmem:$0xF000] =	vst v63  }
0xbf: {  	s14 =	sadd.s32 $0xCC0, s14  }
0xc0: {  	[tilespmem:s6], [sflag:$0x2] =	stream.linear.gather [hbm4b:s14+s3], $0x200, $0x38;
	[tilespmem:$0xF000] =	vst v63  }
0xc1: {  	_ =	swait.ge [sflag:s7], $0x200  }
0xc2: {  	[sflag:s7] =	ssyncset.done $0x0  }
.Ltmp2:
0xc3: {  	[sflag:s7] =	ssyncadd.s32 $0xFFFFFE00;
	(pc) =	sbr.rel @p0 .LBB2_6-.Ltmp2, $4  }
0xc4: {  	[spmem:s2] =	stream.indirect.scatter.add.f32 [tilespmem:s8], [sflag:$0x3], $0x10, s3, s6, $0xb8;
	[tilespmem:$0xF000] =	vst v63  }
0xc5: {  	_ =	swait.ge [sflag:s9], $0x200  }
0xc6: {  	[sflag:s9] =	ssyncset.done $0x0  }
0xc7: {  	[sflag:s9] =	ssyncadd.s32 $0xFFFFFE00  }
0xc8: {  	[spmem:s2] =	stream.indirect.scatter.add.f32 [tilespmem:s8], [sflag:$0x4], $0x10, s6, s6, $0xb8;
	[tilespmem:$0xF000] =	vst v63  }
0xc9: {  	_ =	swait.ge [sflag:s5], $0x2000  }
0xca: {  	[sflag:s5] =	ssyncset.done $0x0  }
0xcb: {  	[sflag:s5] =	ssyncadd.s32 $0xFFFFE000  }
0xcc: {  	s13 =	stileid.u32;
	_ =	swait.ge [sflag:s10], $0x2000  }
0xcd: {  	s14 =	sshrl.u32 s4, $0x3;
	s12 =	sadd.s32 $0x1, s12;
	[sflag:s10] =	ssyncset.done $0x0  }
0xce: {  	s13 =	sshll.u32 s13, $0x6;
	p0 =	sne.s32 s12, s31;
	[sflag:s10] =	ssyncadd.s32 $0xFFFFE000  }
.Ltmp3:
0xcf: {  	s13 =	sor.u32 $0x1C05, s13;
	[bflag:$0x0] =	sbarrier.arrive $0xFFFF;
	(pc) =	sbr.rel @p0 .LBB2_1-.Ltmp3, $4  }
0xd0: {  	[hbm:s22], [sflag:s13] =	dma.local [spmem:s14], $0x1870  }
0xd1: {  	_ =	swait.ge [sflag:s11], $0x1870  }
0xd2: {  	[sflag:s11] =	ssyncset.done $0x0  }
0xd3: {  	[sflag:s11] =	ssyncadd.s32 $0xFFFFE790  }
0xd4: {  	_ =	sfence.sel $0x180000  }
0xd5: {  	[bflag:$0x0] =	sbarrier.arrive $0xFFFF  }
0xd6: {  	_ =	strace $0x90000047  }
0xd7: {  	s0 =	stileid.u32;
	[bflag:$0x2] =	sbarrier.arrive $0xFFFF  }
0xd8: {  	p0 =	sne.s32 s0, $0x0;
	s0 =	rddreg [dreg:$0x3]  }
0xd9: {  	s0 =	sadd.s32 @!p0 $0x100000, s0  }
0xda: {  	[sflag:s0] =	ssyncadd.tile.s32 @!p0 $0x1;
	_ =	shalt  }
.Lfunc_end2:
_tile_overlayer_lowered:
.L_overlay_start_2:
0xdb: {  	(tag) =	ssettag $0x2  }
0xdc: {  	s0 =	rddreg [dreg:$0x0];
	s2 =	stileid.u32  }
0xdd: {  	s1 =	rddreg [dreg:$0x1];
	p0 =	sne.s32 s2, $0x0  }
0xde: {  	s3 =	rddreg [dreg:$0x2];
	[bflag:$0x3] =	sbarrier.arrive $0xFFFF;
	s2 =	simm.s32 @!p0 $0x1C05  }
0xdf: {  	[timem:s3], [sflag:s2] =	dma.local @!p0 [hbm:s0], s1  }
0xe0: {  	s0 =	simm.s32 @!p0 $0x5  }
0xe1: {  	_ =	swait.ge @!p0 [sflag:s0], s1  }
0xe2: {  	s1 =	ssub.s32 @!p0 $0x0, s1;
	[sflag:s0] =	ssyncset.done @!p0 $0x0  }
0xe3: {  	[sflag:s0] =	ssyncadd.s32 @!p0 s1  }
0xe4: {  	[bflag:$0x3] =	sbarrier.arrive $0xFFFF  }
0xe5: {  	_ =	shalt  }

</sc_bundles>
